<compile_context>
chip_gen: v7x
topology: tpu7x:2x2x1
jax: 0.10.2.dev20260603
libtpu: 0.0.44.dev20260713+nightly
codegen_flags: <defaults>
</compile_context>

<pallas_src>
import functools

import jax
import jax.numpy as jnp
from jax import lax
from jax.experimental import pallas as pl
from jax.experimental.pallas import tpu as pltpu
from jax.experimental.pallas import tpu_sc as plsc

N_NODES = 10000
IN_CH = 128
HID_CH = 64
N_EDGES = 320000

NC = 2
NS = 16
NW = NC * NS
EPW = N_EDGES // NW
CH = 80
NCH = EPW // CH
NPAD = 10240
RPT = NPAD // NS

_f32 = jnp.float32



def _sc_mesh():
    return plsc.VectorSubcoreMesh(core_axis_name="c", subcore_axis_name="s")


_SC_PARAMS = pltpu.CompilerParams(use_tc_tiling_on_sc=False)


@functools.partial(
    pl.kernel,
    out_type=(jax.ShapeDtypeStruct((N_NODES,), _f32),
              jax.ShapeDtypeStruct((N_NODES,), _f32)),
    mesh=_sc_mesh(),
    scratch_types=[
        pltpu.VMEM((NCH, CH), jnp.int32),
        pltpu.VMEM((CH,), _f32),
        pltpu.VMEM_SHARED((N_NODES,), _f32),
    ],
    compiler_params=_SC_PARAMS,
)
def _sc_degree(ei_hbm, zdeg_hbm, dega, degb, dst_v, ones_v, deg_sh):
    cid = lax.axis_index("c")
    sid = lax.axis_index("s")
    wid = sid * NC + cid

    @pl.when(sid == 0)
    def _():
        pltpu.sync_copy(zdeg_hbm, deg_sh)

    for j in range(CH // 16):
        ones_v[pl.ds(j * 16, 16)] = jnp.ones((16,), _f32)
    pltpu.sync_copy(ei_hbm.at[1, wid], dst_v)
    plsc.subcore_barrier()

    def body(c, carry):
        pltpu.sync_copy(ones_v, deg_sh.at[dst_v.at[c]], add=True)
        return carry

    lax.fori_loop(0, NCH, body, 0)
    plsc.subcore_barrier()

    @pl.when(jnp.logical_and(sid == 0, cid == 0))
    def _():
        pltpu.sync_copy(deg_sh, dega)

    @pl.when(jnp.logical_and(sid == 0, cid == 1))
    def _():
        pltpu.sync_copy(deg_sh, degb)


def _make_sc_agg(F):

    @functools.partial(
        pl.kernel,
        out_type=jax.ShapeDtypeStruct((NC, NPAD, F), _f32),
        mesh=_sc_mesh(),
        scratch_types=[
            pltpu.VMEM((NCH, CH), jnp.int32),
            pltpu.VMEM((NCH, CH), jnp.int32),
            pltpu.VMEM((CH, F), _f32),
            pltpu.VMEM_SHARED((NPAD, F), _f32),
            pltpu.SemaphoreType.DMA,
        ],
        compiler_params=_SC_PARAMS,
    )
    def agg(h_hbm, ei_hbm, z_hbm, outp, src_v, dst_v, rows_v, acc, sem):
        cid = lax.axis_index("c")
        sid = lax.axis_index("s")
        wid = sid * NC + cid

        pltpu.sync_copy(z_hbm.at[pl.ds(sid * RPT, RPT)],
                        acc.at[pl.ds(sid * RPT, RPT)])
        pltpu.sync_copy(ei_hbm.at[0, wid], src_v)
        pltpu.sync_copy(ei_hbm.at[1, wid], dst_v)
        plsc.subcore_barrier()

        def body(c, carry):
            pltpu.async_copy(h_hbm.at[src_v.at[c]], rows_v, sem).wait()
            pltpu.sync_copy(rows_v, acc.at[dst_v.at[c]], add=True)
            return carry

        lax.fori_loop(0, NCH, body, 0)
        plsc.subcore_barrier()

        @pl.when(cid == 0)
        def _():
            pltpu.sync_copy(acc.at[pl.ds(sid * RPT, RPT)],
                            outp.at[0, pl.ds(sid * RPT, RPT)])

        @pl.when(cid == 1)
        def _():
            pltpu.sync_copy(acc.at[pl.ds(sid * RPT, RPT)],
                            outp.at[1, pl.ds(sid * RPT, RPT)])

    return agg


_sc_agg64 = _make_sc_agg(HID_CH)
_sc_agg128 = _make_sc_agg(IN_CH)



_RB = 1000
_GRID = N_NODES // _RB


def _dcol(dega_ref, degb_ref):
    return lax.rsqrt(dega_ref[...] + degb_ref[...] + 1.0)


def _tc_mm1_body(x_ref, w_ref, da_ref, db_ref, o_ref):
    d = _dcol(da_ref, db_ref)
    o_ref[...] = d * jnp.dot(x_ref[...], w_ref[...],
                             preferred_element_type=_f32)


def _tc_mm1(x, W1, da, db):
    return pl.pallas_call(
        _tc_mm1_body,
        grid=(_GRID,),
        in_specs=[
            pl.BlockSpec((_RB, IN_CH), lambda i: (i, 0)),
            pl.BlockSpec((IN_CH, HID_CH), lambda i: (0, 0)),
            pl.BlockSpec((_RB, 1), lambda i: (i, 0)),
            pl.BlockSpec((_RB, 1), lambda i: (i, 0)),
        ],
        out_specs=pl.BlockSpec((_RB, HID_CH), lambda i: (i, 0)),
        out_shape=jax.ShapeDtypeStruct((N_NODES, HID_CH), _f32),
    )(x, W1, da, db)


def _tc_mid_body(aggp_ref, h1p_ref, b1_ref, w2_ref, da_ref, db_ref, o_ref):
    d = _dcol(da_ref, db_ref)
    pre = aggp_ref[0] + aggp_ref[1] + h1p_ref[...]
    z = jnp.maximum(d * pre + b1_ref[...], 0.0)
    o_ref[...] = d * jnp.dot(z, w2_ref[...], preferred_element_type=_f32)


def _tc_mid(aggp, h1p, b1, W2, da, db):
    return pl.pallas_call(
        _tc_mid_body,
        grid=(_GRID,),
        in_specs=[
            pl.BlockSpec((NC, _RB, HID_CH), lambda i: (0, i, 0)),
            pl.BlockSpec((_RB, HID_CH), lambda i: (i, 0)),
            pl.BlockSpec((1, HID_CH), lambda i: (0, 0)),
            pl.BlockSpec((HID_CH, IN_CH), lambda i: (0, 0)),
            pl.BlockSpec((_RB, 1), lambda i: (i, 0)),
            pl.BlockSpec((_RB, 1), lambda i: (i, 0)),
        ],
        out_specs=pl.BlockSpec((_RB, IN_CH), lambda i: (i, 0)),
        out_shape=jax.ShapeDtypeStruct((N_NODES, IN_CH), _f32),
    )(aggp, h1p, b1, W2, da, db)


def _tc_out_body(aggp_ref, h2p_ref, b2_ref, da_ref, db_ref, o_ref):
    d = _dcol(da_ref, db_ref)
    pre = aggp_ref[0] + aggp_ref[1] + h2p_ref[...]
    o_ref[...] = jnp.tanh(d * pre + b2_ref[...])


def _tc_out(aggp, h2p, b2, da, db):
    return pl.pallas_call(
        _tc_out_body,
        grid=(_GRID,),
        in_specs=[
            pl.BlockSpec((NC, _RB, IN_CH), lambda i: (0, i, 0)),
            pl.BlockSpec((_RB, IN_CH), lambda i: (i, 0)),
            pl.BlockSpec((1, IN_CH), lambda i: (0, 0)),
            pl.BlockSpec((_RB, 1), lambda i: (i, 0)),
            pl.BlockSpec((_RB, 1), lambda i: (i, 0)),
        ],
        out_specs=pl.BlockSpec((_RB, IN_CH), lambda i: (i, 0)),
        out_shape=jax.ShapeDtypeStruct((N_NODES, IN_CH), _f32),
    )(aggp, h2p, b2, da, db)



def kernel(x, edge_index, W1, b1, W2, b2):
    ei = edge_index.astype(jnp.int32).reshape(2, NW, NCH, CH)
    zdeg = jnp.zeros((N_NODES,), _f32)
    z64 = jnp.zeros((NPAD, HID_CH), _f32)
    z128 = jnp.zeros((NPAD, IN_CH), _f32)
    b1r = b1.reshape(1, HID_CH)
    b2r = b2.reshape(1, IN_CH)

    dega, degb = _sc_degree(ei, zdeg)
    da = dega.reshape(N_NODES, 1)
    db = degb.reshape(N_NODES, 1)
    h1p = _tc_mm1(x, W1, da, db)
    agg1p = _sc_agg64(h1p, ei, z64)
    h2p = _tc_mid(agg1p, h1p, b1r, W2, da, db)
    agg2p = _sc_agg128(h2p, ei, z128)
    return _tc_out(agg2p, h2p, b2r, da, db)

# --- scband reference (transcript-rebuilt; emitter-appended) ---
"""Pipeline reference for scband-trigger-generator-120259084719 (READ-ONLY COPY).

The authoritative reference and input builder live on the scoring server;
editing this copy changes nothing except your own understanding.
"""

import jax, jax.numpy as jnp
import numpy as np

N_NODES = 10000
IN_CH = 128
HID_CH = 64


def gcn_conv(x, edge_index, W, b, num_nodes):
    # faithful PyG-style GCNConv: add self-loops, symmetric normalization,
    # linear transform, scatter-add aggregation, bias.
    src = edge_index[0]
    dst = edge_index[1]
    loop = jnp.arange(num_nodes, dtype=src.dtype)
    src = jnp.concatenate([src, loop])
    dst = jnp.concatenate([dst, loop])
    ones = jnp.ones(src.shape[0], dtype=x.dtype)
    deg = jnp.zeros((num_nodes,), dtype=x.dtype).at[dst].add(ones)
    deg_inv_sqrt = jnp.where(deg > 0, 1.0 / jnp.sqrt(deg), 0.0)
    norm = deg_inv_sqrt[src] * deg_inv_sqrt[dst]
    h = x @ W
    msg = h[src] * norm[:, None]
    out = jnp.zeros((num_nodes, h.shape[1]), dtype=x.dtype).at[dst].add(msg)
    return out + b


def setup_inputs(seed: int = 0) -> dict:
    key = jax.random.key(seed)
    k1, k2, k3, k4, k5, k6 = jax.random.split(key, 6)
    x = jax.random.normal(k1, (N_NODES, IN_CH), dtype=jnp.float32)
    edge_index = jax.random.randint(k2, (2, 320000), 0, N_NODES, dtype=jnp.int64)
    # xavier_uniform init for weights, zeros for bias (as in _initialize_weights)
    lim1 = float(np.sqrt(6.0 / (IN_CH + HID_CH)))
    W1 = jax.random.uniform(k3, (IN_CH, HID_CH), minval=-lim1, maxval=lim1, dtype=jnp.float32)
    b1 = jnp.zeros((HID_CH,), dtype=jnp.float32)
    lim2 = float(np.sqrt(6.0 / (HID_CH + IN_CH)))
    W2 = jax.random.uniform(k4, (HID_CH, IN_CH), minval=-lim2, maxval=lim2, dtype=jnp.float32)
    b2 = jnp.zeros((IN_CH,), dtype=jnp.float32)
    return {"x": x, "edge_index": edge_index, "W1": W1, "b1": b1, "W2": W2, "b2": b2}


def reference(x, edge_index, W1, b1, W2, b2):
    num_nodes = x.shape[0]
    h = gcn_conv(x, edge_index, W1, b1, num_nodes)
    h = jax.nn.relu(h)
    # dropout is identity in eval mode
    h = gcn_conv(h, edge_index, W2, b2, num_nodes)
    return jnp.tanh(h)

if __name__ == "__main__":
    import jax
    _d = setup_inputs()
    print(jax.jit(kernel)(*tuple(_d.values())))

</pallas_src>

<mosaic_0001>
#map = affine_map<(d0, d1) -> (0, 0)>
#map1 = affine_map<(d0, d1) -> (0, 0, 0, 0)>
#map2 = affine_map<(d0, d1) -> (0, 0, 0)>
module attributes {stable_mosaic.version = 14 : i64} {
  func.func @agg(%arg0: i32, %arg1: i32, %arg2: memref<10000x64xf32, #tpu.memory_space<hbm>>, %arg3: memref<2x32x125x80xi32, #tpu.memory_space<hbm>>, %arg4: memref<10240x64xf32, #tpu.memory_space<hbm>>, %arg5: memref<2x10240x64xf32, #tpu.memory_space<hbm>>, %arg6: memref<125x80xi32, #tpu.memory_space<vmem>>, %arg7: memref<125x80xi32, #tpu.memory_space<vmem>>, %arg8: memref<80x64xf32, #tpu.memory_space<vmem>>, %arg9: memref<10240x64xf32, #tpu.memory_space<vmem_shared>>, %arg10: memref<!tpu.dma_semaphore, #tpu.memory_space<semaphore_mem>>) attributes {dimension_semantics = [#tpu.dimension_semantics<core_parallel>, #tpu.dimension_semantics<subcore_parallel>], iteration_bounds = array<i64: 2, 16>, scalar_prefetch = 0 : i64, scratch_operands = 5 : i64, tpu.core_type = #tpu.core_type<sc_vector_subcore>, window_params = [{transform_indices = #map}, {transform_indices = #map1}, {transform_indices = #map}, {transform_indices = #map2}]} {
    %mul3A = arith.constant 2 : i32
    %mul3A_0 = arith.muli %arg1, %mul3A : i32
    %add3A = arith.addi %mul3A_0, %arg0 : i32
    %mul3A_1 = arith.constant 640 : i32
    %mul3A_2 = arith.muli %arg1, %mul3A_1 : i32
    %mul3A_3 = arith.constant 640 : i32
    %mul3A_4 = arith.muli %arg1, %mul3A_3 : i32
    "tpu.region"() ({
      %run_scoped3A_19 = tpu.sem_alloc : memref<!tpu.dma_semaphore, #tpu.memory_space<semaphore_mem>>
      %dma_start3A = arith.constant 0 : i32
      %dma_start3A_20 = tpu.memref_slice %arg9[%mul3A_4, %dma_start3A] : memref<10240x64xf32, #tpu.memory_space<vmem_shared>> -> memref<640x64xf32, #tpu.memory_space<vmem_shared>>
      %dma_start3A_21 = arith.constant 0 : i32
      %dma_start3A_22 = tpu.memref_slice %arg4[%mul3A_2, %dma_start3A_21] : memref<10240x64xf32, #tpu.memory_space<hbm>> -> memref<640x64xf32, #tpu.memory_space<hbm>>
      tpu.enqueue_dma source(%dma_start3A_22 : memref<640x64xf32, #tpu.memory_space<hbm>>) target(%dma_start3A_20 : memref<640x64xf32, #tpu.memory_space<vmem_shared>>) target_semaphore(%run_scoped3A_19 : memref<!tpu.dma_semaphore, #tpu.memory_space<semaphore_mem>>)
      %dma_wait3A = arith.constant 0 : i32
      %dma_wait3A_23 = tpu.memref_slice %arg9[%mul3A_4, %dma_wait3A] : memref<10240x64xf32, #tpu.memory_space<vmem_shared>> -> memref<640x64xf32, #tpu.memory_space<vmem_shared>>
      %dma_wait3A_24 = arith.constant 0 : i32
      %dma_wait3A_25 = tpu.memref_slice %arg4[%mul3A_2, %dma_wait3A_24] : memref<10240x64xf32, #tpu.memory_space<hbm>> -> memref<640x64xf32, #tpu.memory_space<hbm>>
      tpu.wait_dma2 semaphore(%run_scoped3A_19 : memref<!tpu.dma_semaphore, #tpu.memory_space<semaphore_mem>>) src(%dma_wait3A_25 : memref<640x64xf32, #tpu.memory_space<hbm>>) dst(%dma_wait3A_23 : memref<640x64xf32, #tpu.memory_space<vmem_shared>>)
      tpu.yield
    }) : () -> ()
    %run_scoped3A = arith.constant 0 : i32
    "tpu.region"() ({
      %run_scoped3A_19 = tpu.sem_alloc : memref<!tpu.dma_semaphore, #tpu.memory_space<semaphore_mem>>
      %dma_start3A = arith.constant 0 : i32
      %dma_start3A_20 = arith.constant 0 : i32
      %dma_start3A_21 = tpu.memref_slice %arg3[%run_scoped3A, %add3A, %dma_start3A, %dma_start3A_20] : memref<2x32x125x80xi32, #tpu.memory_space<hbm>> -> memref<1x1x125x80xi32, #tpu.memory_space<hbm>>
      %dma_start3A_22 = tpu.memref_squeeze %dma_start3A_21 : memref<1x1x125x80xi32, #tpu.memory_space<hbm>> -> memref<125x80xi32, #tpu.memory_space<hbm>>
      %dma_start3A_23 = arith.constant 0 : i32
      %dma_start3A_24 = arith.constant 0 : i32
      %dma_start3A_25 = tpu.memref_slice %arg3[%run_scoped3A, %add3A, %dma_start3A_23, %dma_start3A_24] : memref<2x32x125x80xi32, #tpu.memory_space<hbm>> -> memref<1x1x125x80xi32, #tpu.memory_space<hbm>>
      %dma_start3A_26 = tpu.memref_squeeze %dma_start3A_25 : memref<1x1x125x80xi32, #tpu.memory_space<hbm>> -> memref<125x80xi32, #tpu.memory_space<hbm>>
      tpu.enqueue_dma source(%dma_start3A_26 : memref<125x80xi32, #tpu.memory_space<hbm>>) target(%arg6 : memref<125x80xi32, #tpu.memory_space<vmem>>) target_semaphore(%run_scoped3A_19 : memref<!tpu.dma_semaphore, #tpu.memory_space<semaphore_mem>>)
      %dma_wait3A = arith.constant 0 : i32
      %dma_wait3A_27 = arith.constant 0 : i32
      %dma_wait3A_28 = tpu.memref_slice %arg3[%run_scoped3A, %add3A, %dma_wait3A, %dma_wait3A_27] : memref<2x32x125x80xi32, #tpu.memory_space<hbm>> -> memref<1x1x125x80xi32, #tpu.memory_space<hbm>>
      %dma_wait3A_29 = tpu.memref_squeeze %dma_wait3A_28 : memref<1x1x125x80xi32, #tpu.memory_space<hbm>> -> memref<125x80xi32, #tpu.memory_space<hbm>>
      %dma_wait3A_30 = arith.constant 0 : i32
      %dma_wait3A_31 = arith.constant 0 : i32
      %dma_wait3A_32 = tpu.memref_slice %arg3[%run_scoped3A, %add3A, %dma_wait3A_30, %dma_wait3A_31] : memref<2x32x125x80xi32, #tpu.memory_space<hbm>> -> memref<1x1x125x80xi32, #tpu.memory_space<hbm>>
      %dma_wait3A_33 = tpu.memref_squeeze %dma_wait3A_32 : memref<1x1x125x80xi32, #tpu.memory_space<hbm>> -> memref<125x80xi32, #tpu.memory_space<hbm>>
      tpu.wait_dma2 semaphore(%run_scoped3A_19 : memref<!tpu.dma_semaphore, #tpu.memory_space<semaphore_mem>>) src(%dma_wait3A_33 : memref<125x80xi32, #tpu.memory_space<hbm>>) dst(%arg6 : memref<125x80xi32, #tpu.memory_space<vmem>>)
      tpu.yield
    }) : () -> ()
    %run_scoped3A_5 = arith.constant 1 : i32
    "tpu.region"() ({
      %run_scoped3A_19 = tpu.sem_alloc : memref<!tpu.dma_semaphore, #tpu.memory_space<semaphore_mem>>
      %dma_start3A = arith.constant 0 : i32
      %dma_start3A_20 = arith.constant 0 : i32
      %dma_start3A_21 = tpu.memref_slice %arg3[%run_scoped3A_5, %add3A, %dma_start3A, %dma_start3A_20] : memref<2x32x125x80xi32, #tpu.memory_space<hbm>> -> memref<1x1x125x80xi32, #tpu.memory_space<hbm>>
      %dma_start3A_22 = tpu.memref_squeeze %dma_start3A_21 : memref<1x1x125x80xi32, #tpu.memory_space<hbm>> -> memref<125x80xi32, #tpu.memory_space<hbm>>
      %dma_start3A_23 = arith.constant 0 : i32
      %dma_start3A_24 = arith.constant 0 : i32
      %dma_start3A_25 = tpu.memref_slice %arg3[%run_scoped3A_5, %add3A, %dma_start3A_23, %dma_start3A_24] : memref<2x32x125x80xi32, #tpu.memory_space<hbm>> -> memref<1x1x125x80xi32, #tpu.memory_space<hbm>>
      %dma_start3A_26 = tpu.memref_squeeze %dma_start3A_25 : memref<1x1x125x80xi32, #tpu.memory_space<hbm>> -> memref<125x80xi32, #tpu.memory_space<hbm>>
      tpu.enqueue_dma source(%dma_start3A_26 : memref<125x80xi32, #tpu.memory_space<hbm>>) target(%arg7 : memref<125x80xi32, #tpu.memory_space<vmem>>) target_semaphore(%run_scoped3A_19 : memref<!tpu.dma_semaphore, #tpu.memory_space<semaphore_mem>>)
      %dma_wait3A = arith.constant 0 : i32
      %dma_wait3A_27 = arith.constant 0 : i32
      %dma_wait3A_28 = tpu.memref_slice %arg3[%run_scoped3A_5, %add3A, %dma_wait3A, %dma_wait3A_27] : memref<2x32x125x80xi32, #tpu.memory_space<hbm>> -> memref<1x1x125x80xi32, #tpu.memory_space<hbm>>
      %dma_wait3A_29 = tpu.memref_squeeze %dma_wait3A_28 : memref<1x1x125x80xi32, #tpu.memory_space<hbm>> -> memref<125x80xi32, #tpu.memory_space<hbm>>
      %dma_wait3A_30 = arith.constant 0 : i32
      %dma_wait3A_31 = arith.constant 0 : i32
      %dma_wait3A_32 = tpu.memref_slice %arg3[%run_scoped3A_5, %add3A, %dma_wait3A_30, %dma_wait3A_31] : memref<2x32x125x80xi32, #tpu.memory_space<hbm>> -> memref<1x1x125x80xi32, #tpu.memory_space<hbm>>
      %dma_wait3A_33 = tpu.memref_squeeze %dma_wait3A_32 : memref<1x1x125x80xi32, #tpu.memory_space<hbm>> -> memref<125x80xi32, #tpu.memory_space<hbm>>
      tpu.wait_dma2 semaphore(%run_scoped3A_19 : memref<!tpu.dma_semaphore, #tpu.memory_space<semaphore_mem>>) src(%dma_wait3A_33 : memref<125x80xi32, #tpu.memory_space<hbm>>) dst(%arg7 : memref<125x80xi32, #tpu.memory_space<vmem>>)
      tpu.yield
    }) : () -> ()
    %barrier3A = arith.constant 0 : index
    tpu.barrier barrier_id(%barrier3A)
    %scan3A = arith.constant 0 : i32
    %scan3A_6 = arith.constant 0 : i32
    %scan3A_7 = arith.constant 125 : i32
    %scan3A_8 = arith.addi %scan3A_6, %scan3A_7 : i32
    %scan3A_9 = arith.constant 1 : i32
    scf.for %scan3A_19 = %scan3A_6 to %scan3A_8 step %scan3A_9  : i32 {
      %dma_start3A = arith.constant 0 : i32
      %dma_start3A_20 = tpu.memref_slice %arg6[%scan3A_19, %dma_start3A] : memref<125x80xi32, #tpu.memory_space<vmem>> -> memref<1x80xi32, #tpu.memory_space<vmem>>
      %dma_start3A_21 = tpu.memref_squeeze %dma_start3A_20 : memref<1x80xi32, #tpu.memory_space<vmem>> -> memref<80xi32, #tpu.memory_space<vmem>>
      %dma_start3A_22 = arith.constant 0 : i32
      %dma_start3A_23 = arith.constant 0 : i32
      %dma_start3A_24 = tpu.memref_slice %arg2[%dma_start3A_22, %dma_start3A_23] : memref<10000x64xf32, #tpu.memory_space<hbm>> -> memref<10000x64xf32, #tpu.memory_space<hbm>>
      tpu.enqueue_indirect_dma source(%dma_start3A_24 : memref<10000x64xf32, #tpu.memory_space<hbm>>) target(%arg8 : memref<80x64xf32, #tpu.memory_space<vmem>>) offsets(%dma_start3A_21 : memref<80xi32, #tpu.memory_space<vmem>>) semaphore(%arg10 : memref<!tpu.dma_semaphore, #tpu.memory_space<semaphore_mem>>)
      %dma_wait3A = arith.constant 0 : i32
      %dma_wait3A_25 = tpu.memref_slice %arg6[%scan3A_19, %dma_wait3A] : memref<125x80xi32, #tpu.memory_space<vmem>> -> memref<1x80xi32, #tpu.memory_space<vmem>>
      %dma_wait3A_26 = tpu.memref_squeeze %dma_wait3A_25 : memref<1x80xi32, #tpu.memory_space<vmem>> -> memref<80xi32, #tpu.memory_space<vmem>>
      %dma_wait3A_27 = arith.constant 0 : i32
      %dma_wait3A_28 = arith.constant 0 : i32
      %dma_wait3A_29 = tpu.memref_slice %arg2[%dma_wait3A_27, %dma_wait3A_28] : memref<10000x64xf32, #tpu.memory_space<hbm>> -> memref<10000x64xf32, #tpu.memory_space<hbm>>
      tpu.wait_indirect_dma semaphore(%arg10 : memref<!tpu.dma_semaphore, #tpu.memory_space<semaphore_mem>>) src(%dma_wait3A_29 : memref<10000x64xf32, #tpu.memory_space<hbm>>) dst(%arg8 : memref<80x64xf32, #tpu.memory_space<vmem>>)
      "tpu.region"() ({
        %run_scoped3A_30 = tpu.sem_alloc : memref<!tpu.dma_semaphore, #tpu.memory_space<semaphore_mem>>
        %dma_start3A_31 = arith.constant 0 : i32
        %dma_start3A_32 = tpu.memref_slice %arg7[%scan3A_19, %dma_start3A_31] : memref<125x80xi32, #tpu.memory_space<vmem>> -> memref<1x80xi32, #tpu.memory_space<vmem>>
        %dma_start3A_33 = tpu.memref_squeeze %dma_start3A_32 : memref<1x80xi32, #tpu.memory_space<vmem>> -> memref<80xi32, #tpu.memory_space<vmem>>
        %dma_start3A_34 = arith.constant 0 : i32
        %dma_start3A_35 = arith.constant 0 : i32
        %dma_start3A_36 = tpu.memref_slice %arg9[%dma_start3A_34, %dma_start3A_35] : memref<10240x64xf32, #tpu.memory_space<vmem_shared>> -> memref<10240x64xf32, #tpu.memory_space<vmem_shared>>
        tpu.enqueue_indirect_dma source(%arg8 : memref<80x64xf32, #tpu.memory_space<vmem>>) target(%dma_start3A_36 : memref<10240x64xf32, #tpu.memory_space<vmem_shared>>) offsets(%dma_start3A_33 : memref<80xi32, #tpu.memory_space<vmem>>) semaphore(%run_scoped3A_30 : memref<!tpu.dma_semaphore, #tpu.memory_space<semaphore_mem>>) {add = true}
        %dma_wait3A_37 = arith.constant 0 : i32
        %dma_wait3A_38 = tpu.memref_slice %arg7[%scan3A_19, %dma_wait3A_37] : memref<125x80xi32, #tpu.memory_space<vmem>> -> memref<1x80xi32, #tpu.memory_space<vmem>>
        %dma_wait3A_39 = tpu.memref_squeeze %dma_wait3A_38 : memref<1x80xi32, #tpu.memory_space<vmem>> -> memref<80xi32, #tpu.memory_space<vmem>>
        %dma_wait3A_40 = arith.constant 0 : i32
        %dma_wait3A_41 = arith.constant 0 : i32
        %dma_wait3A_42 = tpu.memref_slice %arg9[%dma_wait3A_40, %dma_wait3A_41] : memref<10240x64xf32, #tpu.memory_space<vmem_shared>> -> memref<10240x64xf32, #tpu.memory_space<vmem_shared>>
        tpu.wait_indirect_dma semaphore(%run_scoped3A_30 : memref<!tpu.dma_semaphore, #tpu.memory_space<semaphore_mem>>) src(%arg8 : memref<80x64xf32, #tpu.memory_space<vmem>>) dst(%dma_wait3A_42 : memref<10240x64xf32, #tpu.memory_space<vmem_shared>>)
        tpu.yield
      }) : () -> ()
    }
    %scan3A_10 = arith.constant 125 : i32
    %barrier3A_11 = arith.constant 0 : index
    tpu.barrier barrier_id(%barrier3A_11)
    %eq3A = arith.constant 0 : i32
    %eq3A_12 = arith.cmpi eq, %arg0, %eq3A : i32
    %convert_element_type3A = arith.extui %eq3A_12 : i1 to i32
    %cond3A = arith.constant 0 : i32
    %cond3A_13 = arith.cmpi ne, %convert_element_type3A, %cond3A : i32
    scf.if %cond3A_13 {
      %mul3A_19 = arith.constant 640 : i32
      %mul3A_20 = arith.muli %arg1, %mul3A_19 : i32
      %mul3A_21 = arith.constant 640 : i32
      %mul3A_22 = arith.muli %arg1, %mul3A_21 : i32
      %run_scoped3A_23 = arith.constant 0 : i32
      "tpu.region"() ({
        %run_scoped3A_24 = tpu.sem_alloc : memref<!tpu.dma_semaphore, #tpu.memory_space<semaphore_mem>>
        %dma_start3A = arith.constant 0 : i32
        %dma_start3A_25 = tpu.memref_slice %arg5[%run_scoped3A_23, %mul3A_22, %dma_start3A] : memref<2x10240x64xf32, #tpu.memory_space<hbm>> -> memref<1x640x64xf32, #tpu.memory_space<hbm>>
        %dma_start3A_26 = tpu.memref_squeeze %dma_start3A_25 : memref<1x640x64xf32, #tpu.memory_space<hbm>> -> memref<640x64xf32, #tpu.memory_space<hbm>>
        %dma_start3A_27 = arith.constant 0 : i32
        %dma_start3A_28 = tpu.memref_slice %arg9[%mul3A_20, %dma_start3A_27] : memref<10240x64xf32, #tpu.memory_space<vmem_shared>> -> memref<640x64xf32, #tpu.memory_space<vmem_shared>>
        tpu.enqueue_dma source(%dma_start3A_28 : memref<640x64xf32, #tpu.memory_space<vmem_shared>>) target(%dma_start3A_26 : memref<640x64xf32, #tpu.memory_space<hbm>>) target_semaphore(%run_scoped3A_24 : memref<!tpu.dma_semaphore, #tpu.memory_space<semaphore_mem>>)
        %dma_wait3A = arith.constant 0 : i32
        %dma_wait3A_29 = tpu.memref_slice %arg5[%run_scoped3A_23, %mul3A_22, %dma_wait3A] : memref<2x10240x64xf32, #tpu.memory_space<hbm>> -> memref<1x640x64xf32, #tpu.memory_space<hbm>>
        %dma_wait3A_30 = tpu.memref_squeeze %dma_wait3A_29 : memref<1x640x64xf32, #tpu.memory_space<hbm>> -> memref<640x64xf32, #tpu.memory_space<hbm>>
        %dma_wait3A_31 = arith.constant 0 : i32
        %dma_wait3A_32 = tpu.memref_slice %arg9[%mul3A_20, %dma_wait3A_31] : memref<10240x64xf32, #tpu.memory_space<vmem_shared>> -> memref<640x64xf32, #tpu.memory_space<vmem_shared>>
        tpu.wait_dma2 semaphore(%run_scoped3A_24 : memref<!tpu.dma_semaphore, #tpu.memory_space<semaphore_mem>>) src(%dma_wait3A_32 : memref<640x64xf32, #tpu.memory_space<vmem_shared>>) dst(%dma_wait3A_30 : memref<640x64xf32, #tpu.memory_space<hbm>>)
        tpu.yield
      }) : () -> ()
    } else {
    }
    %eq3A_14 = arith.constant 1 : i32
    %eq3A_15 = arith.cmpi eq, %arg0, %eq3A_14 : i32
    %convert_element_type3A_16 = arith.extui %eq3A_15 : i1 to i32
    %cond3A_17 = arith.constant 0 : i32
    %cond3A_18 = arith.cmpi ne, %convert_element_type3A_16, %cond3A_17 : i32
    scf.if %cond3A_18 {
      %mul3A_19 = arith.constant 640 : i32
      %mul3A_20 = arith.muli %arg1, %mul3A_19 : i32
      %mul3A_21 = arith.constant 640 : i32
      %mul3A_22 = arith.muli %arg1, %mul3A_21 : i32
      %run_scoped3A_23 = arith.constant 1 : i32
      "tpu.region"() ({
        %run_scoped3A_24 = tpu.sem_alloc : memref<!tpu.dma_semaphore, #tpu.memory_space<semaphore_mem>>
        %dma_start3A = arith.constant 0 : i32
        %dma_start3A_25 = tpu.memref_slice %arg5[%run_scoped3A_23, %mul3A_22, %dma_start3A] : memref<2x10240x64xf32, #tpu.memory_space<hbm>> -> memref<1x640x64xf32, #tpu.memory_space<hbm>>
        %dma_start3A_26 = tpu.memref_squeeze %dma_start3A_25 : memref<1x640x64xf32, #tpu.memory_space<hbm>> -> memref<640x64xf32, #tpu.memory_space<hbm>>
        %dma_start3A_27 = arith.constant 0 : i32
        %dma_start3A_28 = tpu.memref_slice %arg9[%mul3A_20, %dma_start3A_27] : memref<10240x64xf32, #tpu.memory_space<vmem_shared>> -> memref<640x64xf32, #tpu.memory_space<vmem_shared>>
        tpu.enqueue_dma source(%dma_start3A_28 : memref<640x64xf32, #tpu.memory_space<vmem_shared>>) target(%dma_start3A_26 : memref<640x64xf32, #tpu.memory_space<hbm>>) target_semaphore(%run_scoped3A_24 : memref<!tpu.dma_semaphore, #tpu.memory_space<semaphore_mem>>)
        %dma_wait3A = arith.constant 0 : i32
        %dma_wait3A_29 = tpu.memref_slice %arg5[%run_scoped3A_23, %mul3A_22, %dma_wait3A] : memref<2x10240x64xf32, #tpu.memory_space<hbm>> -> memref<1x640x64xf32, #tpu.memory_space<hbm>>
        %dma_wait3A_30 = tpu.memref_squeeze %dma_wait3A_29 : memref<1x640x64xf32, #tpu.memory_space<hbm>> -> memref<640x64xf32, #tpu.memory_space<hbm>>
        %dma_wait3A_31 = arith.constant 0 : i32
        %dma_wait3A_32 = tpu.memref_slice %arg9[%mul3A_20, %dma_wait3A_31] : memref<10240x64xf32, #tpu.memory_space<vmem_shared>> -> memref<640x64xf32, #tpu.memory_space<vmem_shared>>
        tpu.wait_dma2 semaphore(%run_scoped3A_24 : memref<!tpu.dma_semaphore, #tpu.memory_space<semaphore_mem>>) src(%dma_wait3A_32 : memref<640x64xf32, #tpu.memory_space<vmem_shared>>) dst(%dma_wait3A_30 : memref<640x64xf32, #tpu.memory_space<hbm>>)
        tpu.yield
      }) : () -> ()
    } else {
    }
    return
  }
}

#map = affine_map<(d0, d1) -> (0, 0)>
#map1 = affine_map<(d0, d1) -> (0, 0, 0, 0)>
#map2 = affine_map<(d0, d1) -> (0, 0, 0)>
module attributes {stable_mosaic.version = 14 : i64} {
  func.func @agg(%arg0: i32, %arg1: i32, %arg2: memref<10000x128xf32, #tpu.memory_space<hbm>>, %arg3: memref<2x32x125x80xi32, #tpu.memory_space<hbm>>, %arg4: memref<10240x128xf32, #tpu.memory_space<hbm>>, %arg5: memref<2x10240x128xf32, #tpu.memory_space<hbm>>, %arg6: memref<125x80xi32, #tpu.memory_space<vmem>>, %arg7: memref<125x80xi32, #tpu.memory_space<vmem>>, %arg8: memref<80x128xf32, #tpu.memory_space<vmem>>, %arg9: memref<10240x128xf32, #tpu.memory_space<vmem_shared>>, %arg10: memref<!tpu.dma_semaphore, #tpu.memory_space<semaphore_mem>>) attributes {dimension_semantics = [#tpu.dimension_semantics<core_parallel>, #tpu.dimension_semantics<subcore_parallel>], iteration_bounds = array<i64: 2, 16>, scalar_prefetch = 0 : i64, scratch_operands = 5 : i64, tpu.core_type = #tpu.core_type<sc_vector_subcore>, window_params = [{transform_indices = #map}, {transform_indices = #map1}, {transform_indices = #map}, {transform_indices = #map2}]} {
    %mul3A = arith.constant 2 : i32
    %mul3A_0 = arith.muli %arg1, %mul3A : i32
    %add3A = arith.addi %mul3A_0, %arg0 : i32
    %mul3A_1 = arith.constant 640 : i32
    %mul3A_2 = arith.muli %arg1, %mul3A_1 : i32
    %mul3A_3 = arith.constant 640 : i32
    %mul3A_4 = arith.muli %arg1, %mul3A_3 : i32
    "tpu.region"() ({
      %run_scoped3A_19 = tpu.sem_alloc : memref<!tpu.dma_semaphore, #tpu.memory_space<semaphore_mem>>
      %dma_start3A = arith.constant 0 : i32
      %dma_start3A_20 = tpu.memref_slice %arg9[%mul3A_4, %dma_start3A] : memref<10240x128xf32, #tpu.memory_space<vmem_shared>> -> memref<640x128xf32, #tpu.memory_space<vmem_shared>>
      %dma_start3A_21 = arith.constant 0 : i32
      %dma_start3A_22 = tpu.memref_slice %arg4[%mul3A_2, %dma_start3A_21] : memref<10240x128xf32, #tpu.memory_space<hbm>> -> memref<640x128xf32, #tpu.memory_space<hbm>>
      tpu.enqueue_dma source(%dma_start3A_22 : memref<640x128xf32, #tpu.memory_space<hbm>>) target(%dma_start3A_20 : memref<640x128xf32, #tpu.memory_space<vmem_shared>>) target_semaphore(%run_scoped3A_19 : memref<!tpu.dma_semaphore, #tpu.memory_space<semaphore_mem>>)
      %dma_wait3A = arith.constant 0 : i32
      %dma_wait3A_23 = tpu.memref_slice %arg9[%mul3A_4, %dma_wait3A] : memref<10240x128xf32, #tpu.memory_space<vmem_shared>> -> memref<640x128xf32, #tpu.memory_space<vmem_shared>>
      %dma_wait3A_24 = arith.constant 0 : i32
      %dma_wait3A_25 = tpu.memref_slice %arg4[%mul3A_2, %dma_wait3A_24] : memref<10240x128xf32, #tpu.memory_space<hbm>> -> memref<640x128xf32, #tpu.memory_space<hbm>>
      tpu.wait_dma2 semaphore(%run_scoped3A_19 : memref<!tpu.dma_semaphore, #tpu.memory_space<semaphore_mem>>) src(%dma_wait3A_25 : memref<640x128xf32, #tpu.memory_space<hbm>>) dst(%dma_wait3A_23 : memref<640x128xf32, #tpu.memory_space<vmem_shared>>)
      tpu.yield
    }) : () -> ()
    %run_scoped3A = arith.constant 0 : i32
    "tpu.region"() ({
      %run_scoped3A_19 = tpu.sem_alloc : memref<!tpu.dma_semaphore, #tpu.memory_space<semaphore_mem>>
      %dma_start3A = arith.constant 0 : i32
      %dma_start3A_20 = arith.constant 0 : i32
      %dma_start3A_21 = tpu.memref_slice %arg3[%run_scoped3A, %add3A, %dma_start3A, %dma_start3A_20] : memref<2x32x125x80xi32, #tpu.memory_space<hbm>> -> memref<1x1x125x80xi32, #tpu.memory_space<hbm>>
      %dma_start3A_22 = tpu.memref_squeeze %dma_start3A_21 : memref<1x1x125x80xi32, #tpu.memory_space<hbm>> -> memref<125x80xi32, #tpu.memory_space<hbm>>
      %dma_start3A_23 = arith.constant 0 : i32
      %dma_start3A_24 = arith.constant 0 : i32
      %dma_start3A_25 = tpu.memref_slice %arg3[%run_scoped3A, %add3A, %dma_start3A_23, %dma_start3A_24] : memref<2x32x125x80xi32, #tpu.memory_space<hbm>> -> memref<1x1x125x80xi32, #tpu.memory_space<hbm>>
      %dma_start3A_26 = tpu.memref_squeeze %dma_start3A_25 : memref<1x1x125x80xi32, #tpu.memory_space<hbm>> -> memref<125x80xi32, #tpu.memory_space<hbm>>
      tpu.enqueue_dma source(%dma_start3A_26 : memref<125x80xi32, #tpu.memory_space<hbm>>) target(%arg6 : memref<125x80xi32, #tpu.memory_space<vmem>>) target_semaphore(%run_scoped3A_19 : memref<!tpu.dma_semaphore, #tpu.memory_space<semaphore_mem>>)
      %dma_wait3A = arith.constant 0 : i32
      %dma_wait3A_27 = arith.constant 0 : i32
      %dma_wait3A_28 = tpu.memref_slice %arg3[%run_scoped3A, %add3A, %dma_wait3A, %dma_wait3A_27] : memref<2x32x125x80xi32, #tpu.memory_space<hbm>> -> memref<1x1x125x80xi32, #tpu.memory_space<hbm>>
      %dma_wait3A_29 = tpu.memref_squeeze %dma_wait3A_28 : memref<1x1x125x80xi32, #tpu.memory_space<hbm>> -> memref<125x80xi32, #tpu.memory_space<hbm>>
      %dma_wait3A_30 = arith.constant 0 : i32
      %dma_wait3A_31 = arith.constant 0 : i32
      %dma_wait3A_32 = tpu.memref_slice %arg3[%run_scoped3A, %add3A, %dma_wait3A_30, %dma_wait3A_31] : memref<2x32x125x80xi32, #tpu.memory_space<hbm>> -> memref<1x1x125x80xi32, #tpu.memory_space<hbm>>
      %dma_wait3A_33 = tpu.memref_squeeze %dma_wait3A_32 : memref<1x1x125x80xi32, #tpu.memory_space<hbm>> -> memref<125x80xi32, #tpu.memory_space<hbm>>
      tpu.wait_dma2 semaphore(%run_scoped3A_19 : memref<!tpu.dma_semaphore, #tpu.memory_space<semaphore_mem>>) src(%dma_wait3A_33 : memref<125x80xi32, #tpu.memory_space<hbm>>) dst(%arg6 : memref<125x80xi32, #tpu.memory_space<vmem>>)
      tpu.yield
    }) : () -> ()
    %run_scoped3A_5 = arith.constant 1 : i32
    "tpu.region"() ({
      %run_scoped3A_19 = tpu.sem_alloc : memref<!tpu.dma_semaphore, #tpu.memory_space<semaphore_mem>>
      %dma_start3A = arith.constant 0 : i32
      %dma_start3A_20 = arith.constant 0 : i32
      %dma_start3A_21 = tpu.memref_slice %arg3[%run_scoped3A_5, %add3A, %dma_start3A, %dma_start3A_20] : memref<2x32x125x80xi32, #tpu.memory_space<hbm>> -> memref<1x1x125x80xi32, #tpu.memory_space<hbm>>
      %dma_start3A_22 = tpu.memref_squeeze %dma_start3A_21 : memref<1x1x125x80xi32, #tpu.memory_space<hbm>> -> memref<125x80xi32, #tpu.memory_space<hbm>>
      %dma_start3A_23 = arith.constant 0 : i32
      %dma_start3A_24 = arith.constant 0 : i32
      %dma_start3A_25 = tpu.memref_slice %arg3[%run_scoped3A_5, %add3A, %dma_start3A_23, %dma_start3A_24] : memref<2x32x125x80xi32, #tpu.memory_space<hbm>> -> memref<1x1x125x80xi32, #tpu.memory_space<hbm>>
      %dma_start3A_26 = tpu.memref_squeeze %dma_start3A_25 : memref<1x1x125x80xi32, #tpu.memory_space<hbm>> -> memref<125x80xi32, #tpu.memory_space<hbm>>
      tpu.enqueue_dma source(%dma_start3A_26 : memref<125x80xi32, #tpu.memory_space<hbm>>) target(%arg7 : memref<125x80xi32, #tpu.memory_space<vmem>>) target_semaphore(%run_scoped3A_19 : memref<!tpu.dma_semaphore, #tpu.memory_space<semaphore_mem>>)
      %dma_wait3A = arith.constant 0 : i32
      %dma_wait3A_27 = arith.constant 0 : i32
      %dma_wait3A_28 = tpu.memref_slice %arg3[%run_scoped3A_5, %add3A, %dma_wait3A, %dma_wait3A_27] : memref<2x32x125x80xi32, #tpu.memory_space<hbm>> -> memref<1x1x125x80xi32, #tpu.memory_space<hbm>>
      %dma_wait3A_29 = tpu.memref_squeeze %dma_wait3A_28 : memref<1x1x125x80xi32, #tpu.memory_space<hbm>> -> memref<125x80xi32, #tpu.memory_space<hbm>>
      %dma_wait3A_30 = arith.constant 0 : i32
      %dma_wait3A_31 = arith.constant 0 : i32
      %dma_wait3A_32 = tpu.memref_slice %arg3[%run_scoped3A_5, %add3A, %dma_wait3A_30, %dma_wait3A_31] : memref<2x32x125x80xi32, #tpu.memory_space<hbm>> -> memref<1x1x125x80xi32, #tpu.memory_space<hbm>>
      %dma_wait3A_33 = tpu.memref_squeeze %dma_wait3A_32 : memref<1x1x125x80xi32, #tpu.memory_space<hbm>> -> memref<125x80xi32, #tpu.memory_space<hbm>>
      tpu.wait_dma2 semaphore(%run_scoped3A_19 : memref<!tpu.dma_semaphore, #tpu.memory_space<semaphore_mem>>) src(%dma_wait3A_33 : memref<125x80xi32, #tpu.memory_space<hbm>>) dst(%arg7 : memref<125x80xi32, #tpu.memory_space<vmem>>)
      tpu.yield
    }) : () -> ()
    %barrier3A = arith.constant 0 : index
    tpu.barrier barrier_id(%barrier3A)
    %scan3A = arith.constant 0 : i32
    %scan3A_6 = arith.constant 0 : i32
    %scan3A_7 = arith.constant 125 : i32
    %scan3A_8 = arith.addi %scan3A_6, %scan3A_7 : i32
    %scan3A_9 = arith.constant 1 : i32
    scf.for %scan3A_19 = %scan3A_6 to %scan3A_8 step %scan3A_9  : i32 {
      %dma_start3A = arith.constant 0 : i32
      %dma_start3A_20 = tpu.memref_slice %arg6[%scan3A_19, %dma_start3A] : memref<125x80xi32, #tpu.memory_space<vmem>> -> memref<1x80xi32, #tpu.memory_space<vmem>>
      %dma_start3A_21 = tpu.memref_squeeze %dma_start3A_20 : memref<1x80xi32, #tpu.memory_space<vmem>> -> memref<80xi32, #tpu.memory_space<vmem>>
      %dma_start3A_22 = arith.constant 0 : i32
      %dma_start3A_23 = arith.constant 0 : i32
      %dma_start3A_24 = tpu.memref_slice %arg2[%dma_start3A_22, %dma_start3A_23] : memref<10000x128xf32, #tpu.memory_space<hbm>> -> memref<10000x128xf32, #tpu.memory_space<hbm>>
      tpu.enqueue_indirect_dma source(%dma_start3A_24 : memref<10000x128xf32, #tpu.memory_space<hbm>>) target(%arg8 : memref<80x128xf32, #tpu.memory_space<vmem>>) offsets(%dma_start3A_21 : memref<80xi32, #tpu.memory_space<vmem>>) semaphore(%arg10 : memref<!tpu.dma_semaphore, #tpu.memory_space<semaphore_mem>>)
      %dma_wait3A = arith.constant 0 : i32
      %dma_wait3A_25 = tpu.memref_slice %arg6[%scan3A_19, %dma_wait3A] : memref<125x80xi32, #tpu.memory_space<vmem>> -> memref<1x80xi32, #tpu.memory_space<vmem>>
      %dma_wait3A_26 = tpu.memref_squeeze %dma_wait3A_25 : memref<1x80xi32, #tpu.memory_space<vmem>> -> memref<80xi32, #tpu.memory_space<vmem>>
      %dma_wait3A_27 = arith.constant 0 : i32
      %dma_wait3A_28 = arith.constant 0 : i32
      %dma_wait3A_29 = tpu.memref_slice %arg2[%dma_wait3A_27, %dma_wait3A_28] : memref<10000x128xf32, #tpu.memory_space<hbm>> -> memref<10000x128xf32, #tpu.memory_space<hbm>>
      tpu.wait_indirect_dma semaphore(%arg10 : memref<!tpu.dma_semaphore, #tpu.memory_space<semaphore_mem>>) src(%dma_wait3A_29 : memref<10000x128xf32, #tpu.memory_space<hbm>>) dst(%arg8 : memref<80x128xf32, #tpu.memory_space<vmem>>)
      "tpu.region"() ({
        %run_scoped3A_30 = tpu.sem_alloc : memref<!tpu.dma_semaphore, #tpu.memory_space<semaphore_mem>>
        %dma_start3A_31 = arith.constant 0 : i32
        %dma_start3A_32 = tpu.memref_slice %arg7[%scan3A_19, %dma_start3A_31] : memref<125x80xi32, #tpu.memory_space<vmem>> -> memref<1x80xi32, #tpu.memory_space<vmem>>
        %dma_start3A_33 = tpu.memref_squeeze %dma_start3A_32 : memref<1x80xi32, #tpu.memory_space<vmem>> -> memref<80xi32, #tpu.memory_space<vmem>>
        %dma_start3A_34 = arith.constant 0 : i32
        %dma_start3A_35 = arith.constant 0 : i32
        %dma_start3A_36 = tpu.memref_slice %arg9[%dma_start3A_34, %dma_start3A_35] : memref<10240x128xf32, #tpu.memory_space<vmem_shared>> -> memref<10240x128xf32, #tpu.memory_space<vmem_shared>>
        tpu.enqueue_indirect_dma source(%arg8 : memref<80x128xf32, #tpu.memory_space<vmem>>) target(%dma_start3A_36 : memref<10240x128xf32, #tpu.memory_space<vmem_shared>>) offsets(%dma_start3A_33 : memref<80xi32, #tpu.memory_space<vmem>>) semaphore(%run_scoped3A_30 : memref<!tpu.dma_semaphore, #tpu.memory_space<semaphore_mem>>) {add = true}
        %dma_wait3A_37 = arith.constant 0 : i32
        %dma_wait3A_38 = tpu.memref_slice %arg7[%scan3A_19, %dma_wait3A_37] : memref<125x80xi32, #tpu.memory_space<vmem>> -> memref<1x80xi32, #tpu.memory_space<vmem>>
        %dma_wait3A_39 = tpu.memref_squeeze %dma_wait3A_38 : memref<1x80xi32, #tpu.memory_space<vmem>> -> memref<80xi32, #tpu.memory_space<vmem>>
        %dma_wait3A_40 = arith.constant 0 : i32
        %dma_wait3A_41 = arith.constant 0 : i32
        %dma_wait3A_42 = tpu.memref_slice %arg9[%dma_wait3A_40, %dma_wait3A_41] : memref<10240x128xf32, #tpu.memory_space<vmem_shared>> -> memref<10240x128xf32, #tpu.memory_space<vmem_shared>>
        tpu.wait_indirect_dma semaphore(%run_scoped3A_30 : memref<!tpu.dma_semaphore, #tpu.memory_space<semaphore_mem>>) src(%arg8 : memref<80x128xf32, #tpu.memory_space<vmem>>) dst(%dma_wait3A_42 : memref<10240x128xf32, #tpu.memory_space<vmem_shared>>)
        tpu.yield
      }) : () -> ()
    }
    %scan3A_10 = arith.constant 125 : i32
    %barrier3A_11 = arith.constant 0 : index
    tpu.barrier barrier_id(%barrier3A_11)
    %eq3A = arith.constant 0 : i32
    %eq3A_12 = arith.cmpi eq, %arg0, %eq3A : i32
    %convert_element_type3A = arith.extui %eq3A_12 : i1 to i32
    %cond3A = arith.constant 0 : i32
    %cond3A_13 = arith.cmpi ne, %convert_element_type3A, %cond3A : i32
    scf.if %cond3A_13 {
      %mul3A_19 = arith.constant 640 : i32
      %mul3A_20 = arith.muli %arg1, %mul3A_19 : i32
      %mul3A_21 = arith.constant 640 : i32
      %mul3A_22 = arith.muli %arg1, %mul3A_21 : i32
      %run_scoped3A_23 = arith.constant 0 : i32
      "tpu.region"() ({
        %run_scoped3A_24 = tpu.sem_alloc : memref<!tpu.dma_semaphore, #tpu.memory_space<semaphore_mem>>
        %dma_start3A = arith.constant 0 : i32
        %dma_start3A_25 = tpu.memref_slice %arg5[%run_scoped3A_23, %mul3A_22, %dma_start3A] : memref<2x10240x128xf32, #tpu.memory_space<hbm>> -> memref<1x640x128xf32, #tpu.memory_space<hbm>>
        %dma_start3A_26 = tpu.memref_squeeze %dma_start3A_25 : memref<1x640x128xf32, #tpu.memory_space<hbm>> -> memref<640x128xf32, #tpu.memory_space<hbm>>
        %dma_start3A_27 = arith.constant 0 : i32
        %dma_start3A_28 = tpu.memref_slice %arg9[%mul3A_20, %dma_start3A_27] : memref<10240x128xf32, #tpu.memory_space<vmem_shared>> -> memref<640x128xf32, #tpu.memory_space<vmem_shared>>
        tpu.enqueue_dma source(%dma_start3A_28 : memref<640x128xf32, #tpu.memory_space<vmem_shared>>) target(%dma_start3A_26 : memref<640x128xf32, #tpu.memory_space<hbm>>) target_semaphore(%run_scoped3A_24 : memref<!tpu.dma_semaphore, #tpu.memory_space<semaphore_mem>>)
        %dma_wait3A = arith.constant 0 : i32
        %dma_wait3A_29 = tpu.memref_slice %arg5[%run_scoped3A_23, %mul3A_22, %dma_wait3A] : memref<2x10240x128xf32, #tpu.memory_space<hbm>> -> memref<1x640x128xf32, #tpu.memory_space<hbm>>
        %dma_wait3A_30 = tpu.memref_squeeze %dma_wait3A_29 : memref<1x640x128xf32, #tpu.memory_space<hbm>> -> memref<640x128xf32, #tpu.memory_space<hbm>>
        %dma_wait3A_31 = arith.constant 0 : i32
        %dma_wait3A_32 = tpu.memref_slice %arg9[%mul3A_20, %dma_wait3A_31] : memref<10240x128xf32, #tpu.memory_space<vmem_shared>> -> memref<640x128xf32, #tpu.memory_space<vmem_shared>>
        tpu.wait_dma2 semaphore(%run_scoped3A_24 : memref<!tpu.dma_semaphore, #tpu.memory_space<semaphore_mem>>) src(%dma_wait3A_32 : memref<640x128xf32, #tpu.memory_space<vmem_shared>>) dst(%dma_wait3A_30 : memref<640x128xf32, #tpu.memory_space<hbm>>)
        tpu.yield
      }) : () -> ()
    } else {
    }
    %eq3A_14 = arith.constant 1 : i32
    %eq3A_15 = arith.cmpi eq, %arg0, %eq3A_14 : i32
    %convert_element_type3A_16 = arith.extui %eq3A_15 : i1 to i32
    %cond3A_17 = arith.constant 0 : i32
    %cond3A_18 = arith.cmpi ne, %convert_element_type3A_16, %cond3A_17 : i32
    scf.if %cond3A_18 {
      %mul3A_19 = arith.constant 640 : i32
      %mul3A_20 = arith.muli %arg1, %mul3A_19 : i32
      %mul3A_21 = arith.constant 640 : i32
      %mul3A_22 = arith.muli %arg1, %mul3A_21 : i32
      %run_scoped3A_23 = arith.constant 1 : i32
      "tpu.region"() ({
        %run_scoped3A_24 = tpu.sem_alloc : memref<!tpu.dma_semaphore, #tpu.memory_space<semaphore_mem>>
        %dma_start3A = arith.constant 0 : i32
        %dma_start3A_25 = tpu.memref_slice %arg5[%run_scoped3A_23, %mul3A_22, %dma_start3A] : memref<2x10240x128xf32, #tpu.memory_space<hbm>> -> memref<1x640x128xf32, #tpu.memory_space<hbm>>
        %dma_start3A_26 = tpu.memref_squeeze %dma_start3A_25 : memref<1x640x128xf32, #tpu.memory_space<hbm>> -> memref<640x128xf32, #tpu.memory_space<hbm>>
        %dma_start3A_27 = arith.constant 0 : i32
        %dma_start3A_28 = tpu.memref_slice %arg9[%mul3A_20, %dma_start3A_27] : memref<10240x128xf32, #tpu.memory_space<vmem_shared>> -> memref<640x128xf32, #tpu.memory_space<vmem_shared>>
        tpu.enqueue_dma source(%dma_start3A_28 : memref<640x128xf32, #tpu.memory_space<vmem_shared>>) target(%dma_start3A_26 : memref<640x128xf32, #tpu.memory_space<hbm>>) target_semaphore(%run_scoped3A_24 : memref<!tpu.dma_semaphore, #tpu.memory_space<semaphore_mem>>)
        %dma_wait3A = arith.constant 0 : i32
        %dma_wait3A_29 = tpu.memref_slice %arg5[%run_scoped3A_23, %mul3A_22, %dma_wait3A] : memref<2x10240x128xf32, #tpu.memory_space<hbm>> -> memref<1x640x128xf32, #tpu.memory_space<hbm>>
        %dma_wait3A_30 = tpu.memref_squeeze %dma_wait3A_29 : memref<1x640x128xf32, #tpu.memory_space<hbm>> -> memref<640x128xf32, #tpu.memory_space<hbm>>
        %dma_wait3A_31 = arith.constant 0 : i32
        %dma_wait3A_32 = tpu.memref_slice %arg9[%mul3A_20, %dma_wait3A_31] : memref<10240x128xf32, #tpu.memory_space<vmem_shared>> -> memref<640x128xf32, #tpu.memory_space<vmem_shared>>
        tpu.wait_dma2 semaphore(%run_scoped3A_24 : memref<!tpu.dma_semaphore, #tpu.memory_space<semaphore_mem>>) src(%dma_wait3A_32 : memref<640x128xf32, #tpu.memory_space<vmem_shared>>) dst(%dma_wait3A_30 : memref<640x128xf32, #tpu.memory_space<hbm>>)
        tpu.yield
      }) : () -> ()
    } else {
    }
    return
  }
}

#map = affine_map<(d0, d1) -> (0, 0, 0, 0)>
#map1 = affine_map<(d0, d1) -> (0)>
module attributes {stable_mosaic.version = 14 : i64} {
  func.func @_sc_degree(%arg0: i32, %arg1: i32, %arg2: memref<2x32x125x80xi32, #tpu.memory_space<hbm>>, %arg3: memref<10000xf32, #tpu.memory_space<hbm>>, %arg4: memref<10000xf32, #tpu.memory_space<hbm>>, %arg5: memref<10000xf32, #tpu.memory_space<hbm>>, %arg6: memref<125x80xi32, #tpu.memory_space<vmem>>, %arg7: memref<80xf32, #tpu.memory_space<vmem>>, %arg8: memref<10000xf32, #tpu.memory_space<vmem_shared>>) attributes {dimension_semantics = [#tpu.dimension_semantics<core_parallel>, #tpu.dimension_semantics<subcore_parallel>], iteration_bounds = array<i64: 2, 16>, scalar_prefetch = 0 : i64, scratch_operands = 3 : i64, tpu.core_type = #tpu.core_type<sc_vector_subcore>, window_params = [{transform_indices = #map}, {transform_indices = #map1}, {transform_indices = #map1}, {transform_indices = #map1}]} {
    %mul3A = arith.constant 2 : i32
    %mul3A_0 = arith.muli %arg1, %mul3A : i32
    %add3A = arith.addi %mul3A_0, %arg0 : i32
    %eq3A = arith.constant 0 : i32
    %eq3A_1 = arith.cmpi eq, %arg1, %eq3A : i32
    %convert_element_type3A = arith.extui %eq3A_1 : i1 to i32
    %cond3A = arith.constant 0 : i32
    %cond3A_2 = arith.cmpi ne, %convert_element_type3A, %cond3A : i32
    scf.if %cond3A_2 {
      "tpu.region"() ({
        %run_scoped3A_52 = tpu.sem_alloc : memref<!tpu.dma_semaphore, #tpu.memory_space<semaphore_mem>>
        tpu.enqueue_dma source(%arg3 : memref<10000xf32, #tpu.memory_space<hbm>>) target(%arg8 : memref<10000xf32, #tpu.memory_space<vmem_shared>>) target_semaphore(%run_scoped3A_52 : memref<!tpu.dma_semaphore, #tpu.memory_space<semaphore_mem>>)
        tpu.wait_dma2 semaphore(%run_scoped3A_52 : memref<!tpu.dma_semaphore, #tpu.memory_space<semaphore_mem>>) src(%arg3 : memref<10000xf32, #tpu.memory_space<hbm>>) dst(%arg8 : memref<10000xf32, #tpu.memory_space<vmem_shared>>)
        tpu.yield
      }) : () -> ()
    } else {
    }
    %broadcast_in_dim3A = arith.constant 1.000000e+00 : f32
    %broadcast_in_dim3A_3 = vector.broadcast %broadcast_in_dim3A : f32 to vector<16xf32>
    %swap3A = arith.constant 0 : index
    %swap3A_4 = tpu.vector_load %arg7[%swap3A] {strides = array<i32>} : memref<80xf32, #tpu.memory_space<vmem>>, vector<16xf32>,
    %swap3A_5 = vector.shape_cast %swap3A_4 : vector<16xf32> to vector<16xf32>
    %swap3A_6 = vector.shape_cast %broadcast_in_dim3A_3 : vector<16xf32> to vector<16xf32>
    tpu.vector_store %arg7[%swap3A], %swap3A_6 {strides = array<i32>} : memref<80xf32, #tpu.memory_space<vmem>>, vector<16xf32>,
    %broadcast_in_dim3A_7 = arith.constant 1.000000e+00 : f32
    %broadcast_in_dim3A_8 = vector.broadcast %broadcast_in_dim3A_7 : f32 to vector<16xf32>
    %swap3A_9 = arith.constant 16 : index
    %swap3A_10 = tpu.vector_load %arg7[%swap3A_9] {strides = array<i32>} : memref<80xf32, #tpu.memory_space<vmem>>, vector<16xf32>,
    %swap3A_11 = vector.shape_cast %swap3A_10 : vector<16xf32> to vector<16xf32>
    %swap3A_12 = vector.shape_cast %broadcast_in_dim3A_8 : vector<16xf32> to vector<16xf32>
    tpu.vector_store %arg7[%swap3A_9], %swap3A_12 {strides = array<i32>} : memref<80xf32, #tpu.memory_space<vmem>>, vector<16xf32>,
    %broadcast_in_dim3A_13 = arith.constant 1.000000e+00 : f32
    %broadcast_in_dim3A_14 = vector.broadcast %broadcast_in_dim3A_13 : f32 to vector<16xf32>
    %swap3A_15 = arith.constant 32 : index
    %swap3A_16 = tpu.vector_load %arg7[%swap3A_15] {strides = array<i32>} : memref<80xf32, #tpu.memory_space<vmem>>, vector<16xf32>,
    %swap3A_17 = vector.shape_cast %swap3A_16 : vector<16xf32> to vector<16xf32>
    %swap3A_18 = vector.shape_cast %broadcast_in_dim3A_14 : vector<16xf32> to vector<16xf32>
    tpu.vector_store %arg7[%swap3A_15], %swap3A_18 {strides = array<i32>} : memref<80xf32, #tpu.memory_space<vmem>>, vector<16xf32>,
    %broadcast_in_dim3A_19 = arith.constant 1.000000e+00 : f32
    %broadcast_in_dim3A_20 = vector.broadcast %broadcast_in_dim3A_19 : f32 to vector<16xf32>
    %swap3A_21 = arith.constant 48 : index
    %swap3A_22 = tpu.vector_load %arg7[%swap3A_21] {strides = array<i32>} : memref<80xf32, #tpu.memory_space<vmem>>, vector<16xf32>,
    %swap3A_23 = vector.shape_cast %swap3A_22 : vector<16xf32> to vector<16xf32>
    %swap3A_24 = vector.shape_cast %broadcast_in_dim3A_20 : vector<16xf32> to vector<16xf32>
    tpu.vector_store %arg7[%swap3A_21], %swap3A_24 {strides = array<i32>} : memref<80xf32, #tpu.memory_space<vmem>>, vector<16xf32>,
    %broadcast_in_dim3A_25 = arith.constant 1.000000e+00 : f32
    %broadcast_in_dim3A_26 = vector.broadcast %broadcast_in_dim3A_25 : f32 to vector<16xf32>
    %swap3A_27 = arith.constant 64 : index
    %swap3A_28 = tpu.vector_load %arg7[%swap3A_27] {strides = array<i32>} : memref<80xf32, #tpu.memory_space<vmem>>, vector<16xf32>,
    %swap3A_29 = vector.shape_cast %swap3A_28 : vector<16xf32> to vector<16xf32>
    %swap3A_30 = vector.shape_cast %broadcast_in_dim3A_26 : vector<16xf32> to vector<16xf32>
    tpu.vector_store %arg7[%swap3A_27], %swap3A_30 {strides = array<i32>} : memref<80xf32, #tpu.memory_space<vmem>>, vector<16xf32>,
    %run_scoped3A = arith.constant 1 : i32
    "tpu.region"() ({
      %run_scoped3A_52 = tpu.sem_alloc : memref<!tpu.dma_semaphore, #tpu.memory_space<semaphore_mem>>
      %dma_start3A = arith.constant 0 : i32
      %dma_start3A_53 = arith.constant 0 : i32
      %dma_start3A_54 = tpu.memref_slice %arg2[%run_scoped3A, %add3A, %dma_start3A, %dma_start3A_53] : memref<2x32x125x80xi32, #tpu.memory_space<hbm>> -> memref<1x1x125x80xi32, #tpu.memory_space<hbm>>
      %dma_start3A_55 = tpu.memref_squeeze %dma_start3A_54 : memref<1x1x125x80xi32, #tpu.memory_space<hbm>> -> memref<125x80xi32, #tpu.memory_space<hbm>>
      %dma_start3A_56 = arith.constant 0 : i32
      %dma_start3A_57 = arith.constant 0 : i32
      %dma_start3A_58 = tpu.memref_slice %arg2[%run_scoped3A, %add3A, %dma_start3A_56, %dma_start3A_57] : memref<2x32x125x80xi32, #tpu.memory_space<hbm>> -> memref<1x1x125x80xi32, #tpu.memory_space<hbm>>
      %dma_start3A_59 = tpu.memref_squeeze %dma_start3A_58 : memref<1x1x125x80xi32, #tpu.memory_space<hbm>> -> memref<125x80xi32, #tpu.memory_space<hbm>>
      tpu.enqueue_dma source(%dma_start3A_59 : memref<125x80xi32, #tpu.memory_space<hbm>>) target(%arg6 : memref<125x80xi32, #tpu.memory_space<vmem>>) target_semaphore(%run_scoped3A_52 : memref<!tpu.dma_semaphore, #tpu.memory_space<semaphore_mem>>)
      %dma_wait3A = arith.constant 0 : i32
      %dma_wait3A_60 = arith.constant 0 : i32
      %dma_wait3A_61 = tpu.memref_slice %arg2[%run_scoped3A, %add3A, %dma_wait3A, %dma_wait3A_60] : memref<2x32x125x80xi32, #tpu.memory_space<hbm>> -> memref<1x1x125x80xi32, #tpu.memory_space<hbm>>
      %dma_wait3A_62 = tpu.memref_squeeze %dma_wait3A_61 : memref<1x1x125x80xi32, #tpu.memory_space<hbm>> -> memref<125x80xi32, #tpu.memory_space<hbm>>
      %dma_wait3A_63 = arith.constant 0 : i32
      %dma_wait3A_64 = arith.constant 0 : i32
      %dma_wait3A_65 = tpu.memref_slice %arg2[%run_scoped3A, %add3A, %dma_wait3A_63, %dma_wait3A_64] : memref<2x32x125x80xi32, #tpu.memory_space<hbm>> -> memref<1x1x125x80xi32, #tpu.memory_space<hbm>>
      %dma_wait3A_66 = tpu.memref_squeeze %dma_wait3A_65 : memref<1x1x125x80xi32, #tpu.memory_space<hbm>> -> memref<125x80xi32, #tpu.memory_space<hbm>>
      tpu.wait_dma2 semaphore(%run_scoped3A_52 : memref<!tpu.dma_semaphore, #tpu.memory_space<semaphore_mem>>) src(%dma_wait3A_66 : memref<125x80xi32, #tpu.memory_space<hbm>>) dst(%arg6 : memref<125x80xi32, #tpu.memory_space<vmem>>)
      tpu.yield
    }) : () -> ()
    %barrier3A = arith.constant 0 : index
    tpu.barrier barrier_id(%barrier3A)
    %scan3A = arith.constant 0 : i32
    %scan3A_31 = arith.constant 0 : i32
    %scan3A_32 = arith.constant 125 : i32
    %scan3A_33 = arith.addi %scan3A_31, %scan3A_32 : i32
    %scan3A_34 = arith.constant 1 : i32
    scf.for %scan3A_52 = %scan3A_31 to %scan3A_33 step %scan3A_34  : i32 {
      "tpu.region"() ({
        %run_scoped3A_53 = tpu.sem_alloc : memref<!tpu.dma_semaphore, #tpu.memory_space<semaphore_mem>>
        %dma_start3A = arith.constant 0 : i32
        %dma_start3A_54 = tpu.memref_slice %arg6[%scan3A_52, %dma_start3A] : memref<125x80xi32, #tpu.memory_space<vmem>> -> memref<1x80xi32, #tpu.memory_space<vmem>>
        %dma_start3A_55 = tpu.memref_squeeze %dma_start3A_54 : memref<1x80xi32, #tpu.memory_space<vmem>> -> memref<80xi32, #tpu.memory_space<vmem>>
        %dma_start3A_56 = arith.constant 0 : i32
        %dma_start3A_57 = tpu.memref_slice %arg8[%dma_start3A_56] : memref<10000xf32, #tpu.memory_space<vmem_shared>> -> memref<10000xf32, #tpu.memory_space<vmem_shared>>
        tpu.enqueue_indirect_dma source(%arg7 : memref<80xf32, #tpu.memory_space<vmem>>) target(%dma_start3A_57 : memref<10000xf32, #tpu.memory_space<vmem_shared>>) offsets(%dma_start3A_55 : memref<80xi32, #tpu.memory_space<vmem>>) semaphore(%run_scoped3A_53 : memref<!tpu.dma_semaphore, #tpu.memory_space<semaphore_mem>>) {add = true}
        %dma_wait3A = arith.constant 0 : i32
        %dma_wait3A_58 = tpu.memref_slice %arg6[%scan3A_52, %dma_wait3A] : memref<125x80xi32, #tpu.memory_space<vmem>> -> memref<1x80xi32, #tpu.memory_space<vmem>>
        %dma_wait3A_59 = tpu.memref_squeeze %dma_wait3A_58 : memref<1x80xi32, #tpu.memory_space<vmem>> -> memref<80xi32, #tpu.memory_space<vmem>>
        %dma_wait3A_60 = arith.constant 0 : i32
        %dma_wait3A_61 = tpu.memref_slice %arg8[%dma_wait3A_60] : memref<10000xf32, #tpu.memory_space<vmem_shared>> -> memref<10000xf32, #tpu.memory_space<vmem_shared>>
        tpu.wait_indirect_dma semaphore(%run_scoped3A_53 : memref<!tpu.dma_semaphore, #tpu.memory_space<semaphore_mem>>) src(%arg7 : memref<80xf32, #tpu.memory_space<vmem>>) dst(%dma_wait3A_61 : memref<10000xf32, #tpu.memory_space<vmem_shared>>)
        tpu.yield
      }) : () -> ()
    }
    %scan3A_35 = arith.constant 125 : i32
    %barrier3A_36 = arith.constant 0 : index
    tpu.barrier barrier_id(%barrier3A_36)
    %eq3A_37 = arith.constant 0 : i32
    %eq3A_38 = arith.cmpi eq, %arg1, %eq3A_37 : i32
    %eq3A_39 = arith.constant 0 : i32
    %eq3A_40 = arith.cmpi eq, %arg0, %eq3A_39 : i32
    %and3A = arith.andi %eq3A_38, %eq3A_40 : i1
    %convert_element_type3A_41 = arith.extui %and3A : i1 to i32
    %cond3A_42 = arith.constant 0 : i32
    %cond3A_43 = arith.cmpi ne, %convert_element_type3A_41, %cond3A_42 : i32
    scf.if %cond3A_43 {
      "tpu.region"() ({
        %run_scoped3A_52 = tpu.sem_alloc : memref<!tpu.dma_semaphore, #tpu.memory_space<semaphore_mem>>
        tpu.enqueue_dma source(%arg8 : memref<10000xf32, #tpu.memory_space<vmem_shared>>) target(%arg4 : memref<10000xf32, #tpu.memory_space<hbm>>) target_semaphore(%run_scoped3A_52 : memref<!tpu.dma_semaphore, #tpu.memory_space<semaphore_mem>>)
        tpu.wait_dma2 semaphore(%run_scoped3A_52 : memref<!tpu.dma_semaphore, #tpu.memory_space<semaphore_mem>>) src(%arg8 : memref<10000xf32, #tpu.memory_space<vmem_shared>>) dst(%arg4 : memref<10000xf32, #tpu.memory_space<hbm>>)
        tpu.yield
      }) : () -> ()
    } else {
    }
    %eq3A_44 = arith.constant 0 : i32
    %eq3A_45 = arith.cmpi eq, %arg1, %eq3A_44 : i32
    %eq3A_46 = arith.constant 1 : i32
    %eq3A_47 = arith.cmpi eq, %arg0, %eq3A_46 : i32
    %and3A_48 = arith.andi %eq3A_45, %eq3A_47 : i1
    %convert_element_type3A_49 = arith.extui %and3A_48 : i1 to i32
    %cond3A_50 = arith.constant 0 : i32
    %cond3A_51 = arith.cmpi ne, %convert_element_type3A_49, %cond3A_50 : i32
    scf.if %cond3A_51 {
      "tpu.region"() ({
        %run_scoped3A_52 = tpu.sem_alloc : memref<!tpu.dma_semaphore, #tpu.memory_space<semaphore_mem>>
        tpu.enqueue_dma source(%arg8 : memref<10000xf32, #tpu.memory_space<vmem_shared>>) target(%arg5 : memref<10000xf32, #tpu.memory_space<hbm>>) target_semaphore(%run_scoped3A_52 : memref<!tpu.dma_semaphore, #tpu.memory_space<semaphore_mem>>)
        tpu.wait_dma2 semaphore(%run_scoped3A_52 : memref<!tpu.dma_semaphore, #tpu.memory_space<semaphore_mem>>) src(%arg8 : memref<10000xf32, #tpu.memory_space<vmem_shared>>) dst(%arg5 : memref<10000xf32, #tpu.memory_space<hbm>>)
        tpu.yield
      }) : () -> ()
    } else {
    }
    return
  }
}

module attributes {stable_mosaic.version = 14 : i64} {
  func.func @_tc_mm1_body(%arg0: i32, %arg1: memref<1000x128xf32, #tpu.memory_space<vmem>>, %arg2: memref<128x64xf32, #tpu.memory_space<vmem>>, %arg3: memref<1000x1xf32, #tpu.memory_space<vmem>>, %arg4: memref<1000x1xf32, #tpu.memory_space<vmem>>, %arg5: memref<1000x64xf32, #tpu.memory_space<vmem>>) attributes {dimension_semantics = [#tpu.dimension_semantics<arbitrary>], iteration_bounds = array<i64: 10>, scalar_prefetch = 0 : i64, scratch_operands = 0 : i64, tpu.core_type = #tpu.core_type<tc>, window_params = [{transform_indices = @transform_0, window_bounds = array<i64: 1000, 128>}, {pipeline_mode = #tpu.pipeline_mode<synchronous>, transform_indices = @transform_1, window_bounds = array<i64: 128, 64>}, {transform_indices = @transform_2, window_bounds = array<i64: 1000, 1>}, {transform_indices = @transform_3, window_bounds = array<i64: 1000, 1>}, {transform_indices = @transform_4, window_bounds = array<i64: 1000, 64>}]} {
    %get3A = arith.constant 0 : index
    %get3A_0 = arith.constant 0 : index
    %get3A_1 = vector.load %arg3[%get3A, %get3A_0] : memref<1000x1xf32, #tpu.memory_space<vmem>>, vector<1000x1xf32>
    %get3A_2 = arith.constant 0 : index
    %get3A_3 = arith.constant 0 : index
    %get3A_4 = vector.load %arg4[%get3A_2, %get3A_3] : memref<1000x1xf32, #tpu.memory_space<vmem>>, vector<1000x1xf32>
    %add3A = arith.addf %get3A_1, %get3A_4 : vector<1000x1xf32>
    %add3A_5 = arith.constant 1.000000e+00 : f32
    %add3A_6 = vector.broadcast %add3A_5 : f32 to vector<1000x1xf32>
    %add3A_7 = arith.addf %add3A, %add3A_6 : vector<1000x1xf32>
    %rsqrt3A = math.rsqrt %add3A_7 : vector<1000x1xf32>
    %get3A_8 = arith.constant 0 : index
    %get3A_9 = arith.constant 0 : index
    %get3A_10 = vector.load %arg1[%get3A_8, %get3A_9] : memref<1000x128xf32, #tpu.memory_space<vmem>>, vector<1000x128xf32>
    %get3A_11 = arith.constant 0 : index
    %get3A_12 = arith.constant 0 : index
    %get3A_13 = vector.load %arg2[%get3A_11, %get3A_12] : memref<128x64xf32, #tpu.memory_space<vmem>>, vector<128x64xf32>
    %dot_general3A = arith.constant dense<0.000000e+00> : vector<1000x64xf32>
    %dot_general3A_14 = tpu.matmul %get3A_10, %get3A_13, %dot_general3A {dimension_numbers = #tpu.dot_dimension_numbers<[1], [0], [0], [1], [0, 0, 1, 1], [], []>, transpose_lhs_hint = false} : vector<1000x128xf32>, vector<128x64xf32>, vector<1000x64xf32> -> vector<1000x64xf32>
    %mul3A = vector.broadcast %rsqrt3A : vector<1000x1xf32> to vector<1000x64xf32>
    %mul3A_15 = arith.mulf %mul3A, %dot_general3A_14 : vector<1000x64xf32>
    %swap3A = arith.constant 0 : index
    %swap3A_16 = arith.constant 0 : index
    %swap3A_17 = vector.load %arg5[%swap3A, %swap3A_16] : memref<1000x64xf32, #tpu.memory_space<vmem>>, vector<1000x64xf32>
    tpu.vector_store %arg5[%swap3A, %swap3A_16], %mul3A_15 {strides = array<i32>} : memref<1000x64xf32, #tpu.memory_space<vmem>>, vector<1000x64xf32>,
    return
  }
  func.func @transform_0(%arg0: i32) -> (i32, i32) {
    %c0_i32 = arith.constant 0 : i32
    %c0_i32_0 = arith.constant 0 : i32
    return %arg0, %c0_i32 : i32, i32
  }
  func.func @transform_1(%arg0: i32) -> (i32, i32) {
    %c0_i32 = arith.constant 0 : i32
    %c0_i32_0 = arith.constant 0 : i32
    %c0_i32_1 = arith.constant 0 : i32
    return %c0_i32, %c0_i32_0 : i32, i32
  }
  func.func @transform_2(%arg0: i32) -> (i32, i32) {
    %c0_i32 = arith.constant 0 : i32
    %c0_i32_0 = arith.constant 0 : i32
    return %arg0, %c0_i32 : i32, i32
  }
  func.func @transform_3(%arg0: i32) -> (i32, i32) {
    %c0_i32 = arith.constant 0 : i32
    %c0_i32_0 = arith.constant 0 : i32
    return %arg0, %c0_i32 : i32, i32
  }
  func.func @transform_4(%arg0: i32) -> (i32, i32) {
    %c0_i32 = arith.constant 0 : i32
    %c0_i32_0 = arith.constant 0 : i32
    return %arg0, %c0_i32 : i32, i32
  }
}

module attributes {stable_mosaic.version = 14 : i64} {
  func.func @_tc_mid_body(%arg0: i32, %arg1: memref<2x1000x64xf32, #tpu.memory_space<vmem>>, %arg2: memref<1000x64xf32, #tpu.memory_space<vmem>>, %arg3: memref<1x64xf32, #tpu.memory_space<vmem>>, %arg4: memref<64x128xf32, #tpu.memory_space<vmem>>, %arg5: memref<1000x1xf32, #tpu.memory_space<vmem>>, %arg6: memref<1000x1xf32, #tpu.memory_space<vmem>>, %arg7: memref<1000x128xf32, #tpu.memory_space<vmem>>) attributes {dimension_semantics = [#tpu.dimension_semantics<arbitrary>], iteration_bounds = array<i64: 10>, scalar_prefetch = 0 : i64, scratch_operands = 0 : i64, tpu.core_type = #tpu.core_type<tc>, window_params = [{transform_indices = @transform_0, window_bounds = array<i64: 2, 1000, 64>}, {transform_indices = @transform_1, window_bounds = array<i64: 1000, 64>}, {pipeline_mode = #tpu.pipeline_mode<synchronous>, transform_indices = @transform_2, window_bounds = array<i64: 1, 64>}, {pipeline_mode = #tpu.pipeline_mode<synchronous>, transform_indices = @transform_3, window_bounds = array<i64: 64, 128>}, {transform_indices = @transform_4, window_bounds = array<i64: 1000, 1>}, {transform_indices = @transform_5, window_bounds = array<i64: 1000, 1>}, {transform_indices = @transform_6, window_bounds = array<i64: 1000, 128>}]} {
    %get3A = arith.constant 0 : index
    %get3A_0 = arith.constant 0 : index
    %get3A_1 = vector.load %arg5[%get3A, %get3A_0] : memref<1000x1xf32, #tpu.memory_space<vmem>>, vector<1000x1xf32>
    %get3A_2 = arith.constant 0 : index
    %get3A_3 = arith.constant 0 : index
    %get3A_4 = vector.load %arg6[%get3A_2, %get3A_3] : memref<1000x1xf32, #tpu.memory_space<vmem>>, vector<1000x1xf32>
    %add3A = arith.addf %get3A_1, %get3A_4 : vector<1000x1xf32>
    %add3A_5 = arith.constant 1.000000e+00 : f32
    %add3A_6 = vector.broadcast %add3A_5 : f32 to vector<1000x1xf32>
    %add3A_7 = arith.addf %add3A, %add3A_6 : vector<1000x1xf32>
    %rsqrt3A = math.rsqrt %add3A_7 : vector<1000x1xf32>
    %get3A_8 = arith.constant 0 : index
    %get3A_9 = arith.constant 0 : index
    %get3A_10 = arith.constant 0 : index
    %get3A_11 = vector.load %arg1[%get3A_8, %get3A_9, %get3A_10] : memref<2x1000x64xf32, #tpu.memory_space<vmem>>, vector<1x1000x64xf32>
    %get3A_12 = vector.shape_cast %get3A_11 : vector<1x1000x64xf32> to vector<1000x64xf32>
    %get3A_13 = arith.constant 1 : index
    %get3A_14 = arith.constant 0 : index
    %get3A_15 = arith.constant 0 : index
    %get3A_16 = vector.load %arg1[%get3A_13, %get3A_14, %get3A_15] : memref<2x1000x64xf32, #tpu.memory_space<vmem>>, vector<1x1000x64xf32>
    %get3A_17 = vector.shape_cast %get3A_16 : vector<1x1000x64xf32> to vector<1000x64xf32>
    %add3A_18 = arith.addf %get3A_12, %get3A_17 : vector<1000x64xf32>
    %get3A_19 = arith.constant 0 : index
    %get3A_20 = arith.constant 0 : index
    %get3A_21 = vector.load %arg2[%get3A_19, %get3A_20] : memref<1000x64xf32, #tpu.memory_space<vmem>>, vector<1000x64xf32>
    %add3A_22 = arith.addf %add3A_18, %get3A_21 : vector<1000x64xf32>
    %mul3A = vector.broadcast %rsqrt3A : vector<1000x1xf32> to vector<1000x64xf32>
    %mul3A_23 = arith.mulf %mul3A, %add3A_22 : vector<1000x64xf32>
    %get3A_24 = arith.constant 0 : index
    %get3A_25 = arith.constant 0 : index
    %get3A_26 = vector.load %arg3[%get3A_24, %get3A_25] : memref<1x64xf32, #tpu.memory_space<vmem>>, vector<1x64xf32>
    %add3A_27 = vector.broadcast %get3A_26 : vector<1x64xf32> to vector<1000x64xf32>
    %add3A_28 = arith.addf %mul3A_23, %add3A_27 : vector<1000x64xf32>
    %max3A = arith.constant 0.000000e+00 : f32
    %max3A_29 = vector.broadcast %max3A : f32 to vector<1000x64xf32>
    %max3A_30 = arith.maximumf %add3A_28, %max3A_29 : vector<1000x64xf32>
    %get3A_31 = arith.constant 0 : index
    %get3A_32 = arith.constant 0 : index
    %get3A_33 = vector.load %arg4[%get3A_31, %get3A_32] : memref<64x128xf32, #tpu.memory_space<vmem>>, vector<64x128xf32>
    %dot_general3A = arith.constant dense<0.000000e+00> : vector<1000x128xf32>
    %dot_general3A_34 = tpu.matmul %max3A_30, %get3A_33, %dot_general3A {dimension_numbers = #tpu.dot_dimension_numbers<[1], [0], [0], [1], [0, 0, 1, 1], [], []>, transpose_lhs_hint = false} : vector<1000x64xf32>, vector<64x128xf32>, vector<1000x128xf32> -> vector<1000x128xf32>
    %mul3A_35 = vector.broadcast %rsqrt3A : vector<1000x1xf32> to vector<1000x128xf32>
    %mul3A_36 = arith.mulf %mul3A_35, %dot_general3A_34 : vector<1000x128xf32>
    %swap3A = arith.constant 0 : index
    %swap3A_37 = arith.constant 0 : index
    %swap3A_38 = vector.load %arg7[%swap3A, %swap3A_37] : memref<1000x128xf32, #tpu.memory_space<vmem>>, vector<1000x128xf32>
    tpu.vector_store %arg7[%swap3A, %swap3A_37], %mul3A_36 {strides = array<i32>} : memref<1000x128xf32, #tpu.memory_space<vmem>>, vector<1000x128xf32>,
    return
  }
  func.func @transform_0(%arg0: i32) -> (i32, i32, i32) {
    %c0_i32 = arith.constant 0 : i32
    %c0_i32_0 = arith.constant 0 : i32
    %c0_i32_1 = arith.constant 0 : i32
    return %c0_i32, %arg0, %c0_i32_0 : i32, i32, i32
  }
  func.func @transform_1(%arg0: i32) -> (i32, i32) {
    %c0_i32 = arith.constant 0 : i32
    %c0_i32_0 = arith.constant 0 : i32
    return %arg0, %c0_i32 : i32, i32
  }
  func.func @transform_2(%arg0: i32) -> (i32, i32) {
    %c0_i32 = arith.constant 0 : i32
    %c0_i32_0 = arith.constant 0 : i32
    %c0_i32_1 = arith.constant 0 : i32
    return %c0_i32, %c0_i32_0 : i32, i32
  }
  func.func @transform_3(%arg0: i32) -> (i32, i32) {
    %c0_i32 = arith.constant 0 : i32
    %c0_i32_0 = arith.constant 0 : i32
    %c0_i32_1 = arith.constant 0 : i32
    return %c0_i32, %c0_i32_0 : i32, i32
  }
  func.func @transform_4(%arg0: i32) -> (i32, i32) {
    %c0_i32 = arith.constant 0 : i32
    %c0_i32_0 = arith.constant 0 : i32
    return %arg0, %c0_i32 : i32, i32
  }
  func.func @transform_5(%arg0: i32) -> (i32, i32) {
    %c0_i32 = arith.constant 0 : i32
    %c0_i32_0 = arith.constant 0 : i32
    return %arg0, %c0_i32 : i32, i32
  }
  func.func @transform_6(%arg0: i32) -> (i32, i32) {
    %c0_i32 = arith.constant 0 : i32
    %c0_i32_0 = arith.constant 0 : i32
    return %arg0, %c0_i32 : i32, i32
  }
}

module attributes {stable_mosaic.version = 14 : i64} {
  func.func @_tc_out_body(%arg0: i32, %arg1: memref<2x1000x128xf32, #tpu.memory_space<vmem>>, %arg2: memref<1000x128xf32, #tpu.memory_space<vmem>>, %arg3: memref<1x128xf32, #tpu.memory_space<vmem>>, %arg4: memref<1000x1xf32, #tpu.memory_space<vmem>>, %arg5: memref<1000x1xf32, #tpu.memory_space<vmem>>, %arg6: memref<1000x128xf32, #tpu.memory_space<vmem>>) attributes {dimension_semantics = [#tpu.dimension_semantics<arbitrary>], iteration_bounds = array<i64: 10>, scalar_prefetch = 0 : i64, scratch_operands = 0 : i64, tpu.core_type = #tpu.core_type<tc>, window_params = [{transform_indices = @transform_0, window_bounds = array<i64: 2, 1000, 128>}, {transform_indices = @transform_1, window_bounds = array<i64: 1000, 128>}, {pipeline_mode = #tpu.pipeline_mode<synchronous>, transform_indices = @transform_2, window_bounds = array<i64: 1, 128>}, {transform_indices = @transform_3, window_bounds = array<i64: 1000, 1>}, {transform_indices = @transform_4, window_bounds = array<i64: 1000, 1>}, {transform_indices = @transform_5, window_bounds = array<i64: 1000, 128>}]} {
    %get3A = arith.constant 0 : index
    %get3A_0 = arith.constant 0 : index
    %get3A_1 = vector.load %arg4[%get3A, %get3A_0] : memref<1000x1xf32, #tpu.memory_space<vmem>>, vector<1000x1xf32>
    %get3A_2 = arith.constant 0 : index
    %get3A_3 = arith.constant 0 : index
    %get3A_4 = vector.load %arg5[%get3A_2, %get3A_3] : memref<1000x1xf32, #tpu.memory_space<vmem>>, vector<1000x1xf32>
    %add3A = arith.addf %get3A_1, %get3A_4 : vector<1000x1xf32>
    %add3A_5 = arith.constant 1.000000e+00 : f32
    %add3A_6 = vector.broadcast %add3A_5 : f32 to vector<1000x1xf32>
    %add3A_7 = arith.addf %add3A, %add3A_6 : vector<1000x1xf32>
    %rsqrt3A = math.rsqrt %add3A_7 : vector<1000x1xf32>
    %get3A_8 = arith.constant 0 : index
    %get3A_9 = arith.constant 0 : index
    %get3A_10 = arith.constant 0 : index
    %get3A_11 = vector.load %arg1[%get3A_8, %get3A_9, %get3A_10] : memref<2x1000x128xf32, #tpu.memory_space<vmem>>, vector<1x1000x128xf32>
    %get3A_12 = vector.shape_cast %get3A_11 : vector<1x1000x128xf32> to vector<1000x128xf32>
    %get3A_13 = arith.constant 1 : index
    %get3A_14 = arith.constant 0 : index
    %get3A_15 = arith.constant 0 : index
    %get3A_16 = vector.load %arg1[%get3A_13, %get3A_14, %get3A_15] : memref<2x1000x128xf32, #tpu.memory_space<vmem>>, vector<1x1000x128xf32>
    %get3A_17 = vector.shape_cast %get3A_16 : vector<1x1000x128xf32> to vector<1000x128xf32>
    %add3A_18 = arith.addf %get3A_12, %get3A_17 : vector<1000x128xf32>
    %get3A_19 = arith.constant 0 : index
    %get3A_20 = arith.constant 0 : index
    %get3A_21 = vector.load %arg2[%get3A_19, %get3A_20] : memref<1000x128xf32, #tpu.memory_space<vmem>>, vector<1000x128xf32>
    %add3A_22 = arith.addf %add3A_18, %get3A_21 : vector<1000x128xf32>
    %mul3A = vector.broadcast %rsqrt3A : vector<1000x1xf32> to vector<1000x128xf32>
    %mul3A_23 = arith.mulf %mul3A, %add3A_22 : vector<1000x128xf32>
    %get3A_24 = arith.constant 0 : index
    %get3A_25 = arith.constant 0 : index
    %get3A_26 = vector.load %arg3[%get3A_24, %get3A_25] : memref<1x128xf32, #tpu.memory_space<vmem>>, vector<1x128xf32>
    %add3A_27 = vector.broadcast %get3A_26 : vector<1x128xf32> to vector<1000x128xf32>
    %add3A_28 = arith.addf %mul3A_23, %add3A_27 : vector<1000x128xf32>
    %tanh3A = math.tanh %add3A_28 : vector<1000x128xf32>
    %swap3A = arith.constant 0 : index
    %swap3A_29 = arith.constant 0 : index
    %swap3A_30 = vector.load %arg6[%swap3A, %swap3A_29] : memref<1000x128xf32, #tpu.memory_space<vmem>>, vector<1000x128xf32>
    tpu.vector_store %arg6[%swap3A, %swap3A_29], %tanh3A {strides = array<i32>} : memref<1000x128xf32, #tpu.memory_space<vmem>>, vector<1000x128xf32>,
    return
  }
  func.func @transform_0(%arg0: i32) -> (i32, i32, i32) {
    %c0_i32 = arith.constant 0 : i32
    %c0_i32_0 = arith.constant 0 : i32
    %c0_i32_1 = arith.constant 0 : i32
    return %c0_i32, %arg0, %c0_i32_0 : i32, i32, i32
  }
  func.func @transform_1(%arg0: i32) -> (i32, i32) {
    %c0_i32 = arith.constant 0 : i32
    %c0_i32_0 = arith.constant 0 : i32
    return %arg0, %c0_i32 : i32, i32
  }
  func.func @transform_2(%arg0: i32) -> (i32, i32) {
    %c0_i32 = arith.constant 0 : i32
    %c0_i32_0 = arith.constant 0 : i32
    %c0_i32_1 = arith.constant 0 : i32
    return %c0_i32, %c0_i32_0 : i32, i32
  }
  func.func @transform_3(%arg0: i32) -> (i32, i32) {
    %c0_i32 = arith.constant 0 : i32
    %c0_i32_0 = arith.constant 0 : i32
    return %arg0, %c0_i32 : i32, i32
  }
  func.func @transform_4(%arg0: i32) -> (i32, i32) {
    %c0_i32 = arith.constant 0 : i32
    %c0_i32_0 = arith.constant 0 : i32
    return %arg0, %c0_i32 : i32, i32
  }
  func.func @transform_5(%arg0: i32) -> (i32, i32) {
    %c0_i32 = arith.constant 0 : i32
    %c0_i32_0 = arith.constant 0 : i32
    return %arg0, %c0_i32 : i32, i32
  }
}

</mosaic_0001>

<sc_bundles>
// kernel: kernel.11.cloned.1.call-start
scs
__scs_entry_jumppad:
0x0: {  	(pc) =	sbr.rel $0x88, $3  }
0x1: {  	(tag) =	ssettag $0x0;
	lr =	simm.s32 $0x1  }
0x2: {  	[smem:$0x3F9B] =	sst lr;
	_ =	strace $0xD0000000  }
0x3: {  	_ = 	snop  }
0x4: {  	_ = 	snop  }
0x5: {  	_ = 	snop  }
0x6: {  	_ = 	snop  }
0x7: {  	_ = 	snop  }
__scs_overlays_trampoline_lowered:
0x8: {  	[smem:$0x3FAA] =	sst s0  }
0x9: {  	[smem:$0x3FAB] =	sst s1  }
0xa: {  	[smem:$0x3FAC] =	sst s2  }
0xb: {  	[smem:$0x3FAD] =	sst s3  }
0xc: {  	[smem:$0x3FAE] =	sst s4  }
0xd: {  	[smem:$0x3FAF] =	sst s5  }
0xe: {  	[smem:$0x3FB0] =	sst s6  }
0xf: {  	[smem:$0x3FB1] =	sst s7  }
0x10: {  	[smem:$0x3FB2] =	sst s8  }
0x11: {  	[smem:$0x3FB3] =	sst s9;
	s0 =	simm.s32 @!p0 $0x0  }
0x12: {  	s1 =	sld [smem:$0x3F99];
	s0 =	simm.s32 @p0 $0x1  }
0x13: {  	[smem:$0x3FB4] =	sst s0;
	s0 =	simm.s32 @!p1 $0x0  }
0x14: {  	s2 =	sld [smem:$0x3F98];
	s0 =	simm.s32 @p1 $0x1  }
0x15: {  	[smem:$0x3FB5] =	sst s0;
	s0 =	simm.s32 @!p2 $0x0  }
0x16: {  	s3 =	sld [smem:$0x3FDB];
	s0 =	simm.s32 @p2 $0x1  }
0x17: {  	s4 =	simm.s32 $0x1BF5;
	[smem:$0x3FB7] =	sst s0  }
0x18: {  	s0 =	sld [smem:$0x3F9A];
	_ =	swait.ge [sflag:s4], $0x0  }
0x19: {  	s7 =	sld [smem:$0x3F9B]  }
0x1a: {  	s8 =	sadd.s32 $0xFFFFE003, lr  }
0x1b: {  	s9 =	sadd.s32 $0xFFFFFEF7, lr;
	s5 =	simm.s32 $0xFFFFFFFF;
	p2 =	slt.u32 s8, $0xFFFFF086  }
0x1c: {  	p1 =	slt.u32 s9, $0xF7A;
	s5 =	simm.s32 @!p2 $0x0  }
0x1d: {  	s5 =	simm.s32 @p1 $0x1;
	p0 =	seq.s32 s7, s2  }
0x1e: {  	s7 =	smul.u32 @!p0 $0xF7A, s2;
	p2 =	seq.s32 @!p0 s5, $0x0  }
0x1f: {  	s9 =	smul.u32 $0xF7A, s1;
	s8 =	simm.s32 @!p0 $0x1BF5;
	p2 =	por !p2, p0  }
0x20: {  	[sflag:s8] =	ssyncset.s32 @!p0 $0xFFFFF086;
	s6 =	sadd.s32 @!p0 s3, s7;
	s7 =	simm.s32 @!p0 $0x108  }
0x21: {  	s3 =	sadd.s32 s3, s9;
	s6 =	sadd.s32 @!p0 $0x88, s6;
	s7 =	simm.s32 @p2 $0x1082  }
0x22: {  	[simem:s7], [sflag:s8] =	dma.local @!p0 [hbm:s6], $0xF7A  }
0x23: {  	s9 =	sor.u32 $0xD0000000, s2;
	s6 =	simm.s32 $0x108;
	_ =	swait.ge @!p0 [sflag:s8], $0x0  }
0x24: {  	s3 =	sadd.s32 $0x88, s3;
	s6 =	simm.s32 @!p1 $0x1082;
	[sflag:s4] =	ssyncset.s32 $0xFFFFF086  }
0x25: {  	[simem:s6], [sflag:s4] =	dma.local [hbm:s3], $0xF7A  }
0x26: {  	[smem:$0x3F9B] =	sst s1;
	(tag) =	ssettag s2;
	_ =	strace s9  }
0x27: {  	s1 =	sld [smem:$0x3FAB]  }
0x28: {  	s2 =	sld [smem:$0x3FAC]  }
0x29: {  	s4 =	sld [smem:$0x3FAE]  }
0x2a: {  	p0 =	seq.s32 s5, $0x0;
	s5 =	sld [smem:$0x3FAF]  }
0x2b: {  	s6 =	sld [smem:$0x3FB0]  }
0x2c: {  	s7 =	sld [smem:$0x3FB1]  }
0x2d: {  	s3 =	simm.s32 $0x108;
	s8 =	sld [smem:$0x3FB2]  }
0x2e: {  	s3 =	simm.s32 @!p0 $0x1082;
	s9 =	sld [smem:$0x3FB3]  }
0x2f: {  	lr =	sadd.s32 s0, s3;
	s0 =	sld [smem:$0x3FAA]  }
0x30: {  	s3 =	sld [smem:$0x3FAD]  }
0x31: {  	[smem:$0x3FB6] =	sst s10  }
0x32: {  	s10 =	sld [smem:$0x3FB4];
	_ =	sdelay $0x3  }
0x33: {  	p0 =	seq.s32 s10, $0x1;
	s10 =	sld [smem:$0x3FB6];
	_ =	sdelay $0x3  }
0x34: {  	[smem:$0x3FB6] =	sst s10  }
0x35: {  	s10 =	sld [smem:$0x3FB5];
	_ =	sdelay $0x3  }
0x36: {  	p1 =	seq.s32 s10, $0x1;
	s10 =	sld [smem:$0x3FB6];
	_ =	sdelay $0x3  }
0x37: {  	[smem:$0x3FB6] =	sst s10  }
0x38: {  	s10 =	sld [smem:$0x3FB7]  }
0x39: {  	_ = 	snop;
	(pc) =	sbr.ind lr, $3  }
0x3a: {  	_ = 	snop  }
0x3b: {  	_ = 	snop  }
0x3c: {  	p2 =	seq.s32 s10, $0x1;
	s10 =	sld [smem:$0x3FB6]  }
0x3d: {  	_ =	shalt  }
0x3e: {  	_ =	shalt  }
0x3f: {  	_ =	shalt  }
0x40: {  	_ =	shalt  }
0x41: {  	_ =	shalt  }
0x42: {  	_ =	shalt  }
0x43: {  	_ =	shalt  }
0x44: {  	_ =	shalt  }
0x45: {  	_ =	shalt  }
0x46: {  	_ =	shalt  }
0x47: {  	_ =	shalt  }
0x48: {  	_ =	shalt  }
0x49: {  	_ =	shalt  }
0x4a: {  	_ =	shalt  }
0x4b: {  	_ =	shalt  }
0x4c: {  	_ =	shalt  }
0x4d: {  	_ =	shalt  }
0x4e: {  	_ =	shalt  }
0x4f: {  	_ =	shalt  }
0x50: {  	_ =	shalt  }
0x51: {  	_ =	shalt  }
0x52: {  	_ =	shalt  }
0x53: {  	_ =	shalt  }
0x54: {  	_ =	shalt  }
0x55: {  	_ =	shalt  }
0x56: {  	_ =	shalt  }
0x57: {  	_ =	shalt  }
0x58: {  	_ =	shalt  }
0x59: {  	_ =	shalt  }
0x5a: {  	_ =	shalt  }
0x5b: {  	_ =	shalt  }
0x5c: {  	_ =	shalt  }
0x5d: {  	_ =	shalt  }
0x5e: {  	_ =	shalt  }
0x5f: {  	_ =	shalt  }
0x60: {  	_ =	shalt  }
0x61: {  	_ =	shalt  }
0x62: {  	_ =	shalt  }
0x63: {  	_ =	shalt  }
0x64: {  	_ =	shalt  }
0x65: {  	_ =	shalt  }
0x66: {  	_ =	shalt  }
0x67: {  	_ =	shalt  }
0x68: {  	_ =	shalt  }
0x69: {  	_ =	shalt  }
0x6a: {  	_ =	shalt  }
0x6b: {  	_ =	shalt  }
0x6c: {  	_ =	shalt  }
0x6d: {  	_ =	shalt  }
0x6e: {  	_ =	shalt  }
0x6f: {  	_ =	shalt  }
0x70: {  	_ =	shalt  }
0x71: {  	_ =	shalt  }
0x72: {  	_ =	shalt  }
0x73: {  	_ =	shalt  }
0x74: {  	_ =	shalt  }
0x75: {  	_ =	shalt  }
0x76: {  	_ =	shalt  }
0x77: {  	_ =	shalt  }
0x78: {  	_ =	shalt  }
0x79: {  	_ =	shalt  }
0x7a: {  	_ =	shalt  }
0x7b: {  	_ =	shalt  }
0x7c: {  	_ =	shalt  }
0x7d: {  	_ =	shalt  }
0x7e: {  	_ =	shalt  }
0x7f: {  	_ =	shalt  }
0x80: {  	_ =	shalt  }
0x81: {  	_ =	shalt  }
0x82: {  	_ =	shalt  }
0x83: {  	_ =	shalt  }
0x84: {  	_ =	shalt  }
0x85: {  	_ =	shalt  }
0x86: {  	_ =	shalt  }
0x87: {  	_ =	shalt  }
.Lfunc_end0:
.L_simem_size_0:
called_computation.1_lowered:
.L_overlay_start_0:
0x88: {  	s2 =	sld [smem:$0x3FD9]  }
0x89: {  	s3 =	sld [smem:$0x3FFE];
	_ =	sdelay $0x1  }
0x8a: {  	s1 =	srdreg.scid  }
0x8b: {  	s0 =	sand.u32 $0x1, s1  }
0x8c: {  	s17 =	sshll.u32 s0, $0xA;
	s2 =	sadd.s32 s3, s2  }
0x8d: {  	s2 =	sadd.s32 s2, s17  }
0x8e: {  	[smem:$0x3FC2] =	sst s2  }
0x8f: {  	_ = 	snop  }
0x90: {  	s2 =	sld [smem:$0x3FD0];
	(tm) =	ssettm $0x1  }
0x91: {  	s18 =	sld [smem:$0x3FFB];
	_ =	sdelay $0x3  }
0x92: {  	_ =	strace s18  }
0x93: {  	s3 =	sld [smem:$0x3FFC];
	_ =	sdelay $0x3  }
0x94: {  	_ =	strace s3  }
0x95: {  	s3 =	sld [smem:$0x3FFD];
	_ =	sdelay $0x3  }
0x96: {  	_ =	strace s3  }
0x97: {  	_ =	strace $0x8FFFFFFF  }
0x98: {  	s19 =	sld [smem:$0x3FDB];
	_ =	sdelay $0x1  }
0x99: {  	s4 =	simm.s32 $_scs_section_size  }
0x9a: {  	s5 =	simm.s32 $_size__tile_overlayer_lowered;
	s6 =	simm.s32 $_tile_overlayer_lowered  }
0x9b: {  	s22 =	simm.s32 $0x1BFF;
	s21 =	sshll.u32 s6, $0x1;
	s3 =	sadd.s32 s4, s19  }
0x9c: {  	s7 =	simm.s32 $0x0;
	s20 =	sshll.u32 s5, $0x1;
	s5 =	sadd.s32 s21, s3  }
0x9d: {  	[timem:s7], [sflag:s22] =	dma.local [hbm:s5], s20  }
0x9e: {  	_ =	swait.ge [sflag:s22], s20  }
0x9f: {  	s4 =	ssub.s32 $0x0, s20;
	[sflag:s22] =	ssyncset.done $0x0  }
0xa0: {  	[sflag:s22] =	ssyncadd.s32 s4;
	_ =	sdelay $0x1  }
0xa1: {  	s23 =	simm.s32 $0x1B8B  }
0xa2: {  	_ =	swait.ge [sflag:s23], $0x1  }
0xa3: {  	[sflag:s23] =	ssyncset.done $0x0  }
0xa4: {  	s25 =	simm.s32 $0x1B8E;
	s24 =	sld [smem:$0x3FFE];
	[sflag:s23] =	ssyncadd.s32 $0xFFFFFFFF  }
0xa5: {  	s26 =	simm.s32 $execute0_lowered;
	[smem:$0x3FD2] =	sst s25  }
0xa6: {  	s5 =	sshll.u32 s26, $0x1;
	_ =	strace $0x80000049;
	[dreg:$0x1] =	wrdreg $0xFFFFFFFF  }
0xa7: {  	s28 =	simm.s32 $_size_execute0_lowered;
	s3 =	sadd.s32 s3, s5;
	[dreg:$0x0] =	wrdreg $0x0  }
0xa8: {  	s5 =	sshll.u32 s28, $0x1;
	[dreg:$0x2] =	wrdreg s3  }
0xa9: {  	[dreg:$0x3] =	wrdreg s5  }
0xaa: {  	[dreg:$0x4] =	wrdreg $0xC0  }
0xab: {  	_ =	task [dreg:s7], $0x5FFFF  }
0xac: {  	[dreg:$0x1] =	wrdreg $0xFFFFFFFF  }
0xad: {  	[dreg:$0x0] =	wrdreg $0x60  }
0xae: {  	[dreg:$0x2] =	wrdreg s24  }
0xaf: {  	[dreg:$0x3] =	wrdreg s2  }
0xb0: {  	[dreg:$0x4] =	wrdreg $0x62200  }
0xb1: {  	[dreg:$0x5] =	wrdreg $0x9  }
0xb2: {  	_ =	task.clear_ibuf [dreg:s7], $0x6FFFF;
	_ =	strace $0x90000049  }
0xb3: {  	s29 =	simm.s32 $0x9;
	_ =	strace $0x8000004B  }
0xb4: {  	_ =	swait.ge [sflag:s29], $0x1  }
0xb5: {  	[sflag:s29] =	ssyncadd.s32 $0xFFFFFFFF  }
0xb6: {  	_ =	strace $0x9000004B  }
0xb7: {  	_ =	sfence  }
0xb8: {  	s30 =	sld [smem:$0x0];
	_ =	sdelay $0x2  }
0xb9: {  	s31 =	sshll.u32 s1, $0xD;
	s1 =	sshrl.u32 s1, $0x2  }
0xba: {  	s3 =	sand.u32 $0x4000, s31;
	s1 =	sadd.s32 s1, s30  }
0xbb: {  	s0 =	sor.u32 s3, s0;
	s1 =	sshll.u32 s1, $0x11  }
0xbc: {  	s0 =	sor.u32 s1, s0  }
0xbd: {  	s0 =	sadd.s32 $0x8F2B, s0  }
0xbe: {  	[sflag:s0] =	ssyncadd.remote.s32 $0x1  }
0xbf: {  	_ =	sfence.sel $0xFFFF  }
0xc0: {  	[dreg:$0x0] =	wrdreg $0xFFFFFFFF;
	(pc) =	sbr.abs _section_cstart, $3  }
0xc1: {  	[dreg:$0x1] =	wrdreg $0xFFFFFFFF  }
0xc2: {  	_ =	task.clear_ibuf [dreg:s7], $0x2FFFF;
	_ =	strace $0x9FFFFFFF  }
0xc3: {  	(tm) =	ssettm $0x7FFFFFFF  }
tec
execute0_lowered:
.L_overlay_start_1:
0x0: {  	(tag) =	ssettag $0x1  }
0x1: {  	s6 =	rddreg [dreg:$0x0]  }
0x2: {  	s5 =	rddreg [dreg:$0x1]  }
0x3: {  	s1 =	rddreg [dreg:$0x2]  }
0x4: {  	s0 =	rddreg [dreg:$0x3]  }
0x5: {  	s3 =	simm.s32 $0x0;
	s4 =	srdreg.scid;
	s2 =	stileid.u32  }
0x6: {  	s13 =	simm.s32 $0x2710;
	s14 =	simm.s32 $0x50;
	s15 =	simm.s32 $0x4E20  }
0x7: {  	s16 =	simm.s32 $0x1;
	s17 =	simm.s32 $0x0;
	[smem:$0x7FF] =	sst s3  }
0x8: {  	s7 =	sand.u32 $0x1, s4;
	s28 =	sshll.u32 s2, $0x1;
	s8 =	smul.u32 $0xA000, s2  }
0x9: {  	s4 =	sadd.s32 $0x16000, s6;
	s31 =	sshll.u32 s2, $0x6;
	_ =	strace $0x8000004A  }
0xa: {  	s9 =	sor.u32 s7, s28;
	p0 =	seq.s32 s7, $0x1;
	s7 =	ssub.s32 $0x2, s7  }
0xb: {  	s9 =	smul.u32 $0x2710, s9;
	s10 =	sshrl.u32 s8, $0x3;
	s29 =	sshrl.u32 s7, $0x1  }
0xc: {  	s12 =	sadd.s32 s8, s1;
	s11 =	sadd.s32 $0x14000, s10;
	s5 =	sadd.s32 s5, s10  }
0xd: {  	s30 =	ssub.s32 s7, s29;
	s9 =	sshrl.u32 s9, $0x3;
	s10 =	smov.u32 @p0 s11  }
0xe: {  	s11 =	sshrl.u32 s12, $0x3;
	s12 =	simm.s32 $0x2;
	s9 =	sadd.s32 s9, s6  }
0xf: {  	s10 =	sadd.s32 s10, s6;
	s6 =	sor.u32 $0x1C02, s31;
	s7 =	sadd.s32 $0x2600, s9  }
0x10: {  	s8 =	sadd.s32 $0xC240, s9;
	s9 =	smax.u32 s30, $0x1;
	s10 =	sadd.s32 $0x29A00, s10  }
.LBB2_1:
0x11: {  	[spmem:s11], [sflag:s6] =	dma.local [hbm:s5], $0x1400  }
0x12: {  	_ =	swait.ge [sflag:s12], $0x1400  }
0x13: {  	[sflag:s12] =	ssyncset.done $0x0  }
0x14: {  	[sflag:s12] =	ssyncadd.s32 $0xFFFFEC00  }
0x15: {  	[tilespmem:s3], [sflag:$0x2] =	stream.linear.gather [hbm4b:s7+s3], $0x2710, $0x38;
	[tilespmem:$0x10220] =	vst v63  }
0x16: {  	_ =	swait.ge [sflag:s12], $0x2710  }
0x17: {  	[sflag:s12] =	ssyncset.done $0x0  }
0x18: {  	[sflag:s12] =	ssyncadd.s32 $0xFFFFD8F0  }
0x19: {  	[tilespmem:s13], [sflag:$0x2] =	stream.linear.gather [hbm4b:s8+s3], $0x2710, $0x38;
	[tilespmem:$0x10220] =	vst v63  }
0x1a: {  	_ =	swait.ge [sflag:s12], $0x2710  }
0x1b: {  	[sflag:s12] =	ssyncset.done $0x0  }
0x1c: {  	[sflag:s12] =	ssyncadd.s32 $0xFFFFD8F0  }
0x1d: {  	s18 =	simm.s32 $0x0;
	[bflag:$0x0] =	sbarrier.arrive $0xFFFF  }
0x1e: {  	[tilespmem:s15], [sflag:$0x1] =	stream.indirect.gather [hbm4b:s4+s14], $0x40, s18, s14, $0xb8;
	[tilespmem:$0x10220] =	vst v63  }
0x1f: {  	_ =	swait.ge [sflag:s16], $0x1400  }
0x20: {  	[sflag:s16] =	ssyncset.done $0x0  }
0x21: {  	s31 =	simm.s32 $0x2710;
	[sflag:s16] =	ssyncadd.s32 $0xFFFFEC00  }
0x22: {  	[spmem:s1] =	stream.indirect.scatter.add.f32 [tilespmem:s15], [sflag:$0x2], $0x40, s31, s14, $0xb8;
	[tilespmem:$0x10220] =	vst v63  }
0x23: {  	_ =	swait.ge [sflag:s12], $0x1400  }
0x24: {  	s19 =	simm.s32 $0x280;
	s18 =	simm.s32 $0x140;
	[sflag:s12] =	ssyncset.done $0x0  }
.LBB2_2:
0x25: {  	s20 =	sshra.s32 s18, $0x2  }
0x26: {  	[sflag:s12] =	ssyncadd.s32 $0xFFFFEC00;
	s18 =	smov.u32 s19;
	s21 =	sadd.s32 $0x140, s19  }
0x27: {  	[tilespmem:s15], [sflag:$0x1] =	stream.indirect.gather [hbm4b:s4+s14], $0x40, s20, s14, $0xb8;
	[tilespmem:$0x10220] =	vst v63  }
0x28: {  	p0 =	sne.s32 s19, $0x9B00;
	_ =	swait.ge [sflag:s16], $0x1400  }
.Ltmp0:
0x29: {  	[sflag:s16] =	ssyncset.done $0x0;
	(pc) =	sbr.rel @p0 .LBB2_2-.Ltmp0, $4  }
0x2a: {  	s19 =	sadd.s32 $0x2710, s20;
	[sflag:s16] =	ssyncadd.s32 $0xFFFFEC00  }
0x2b: {  	[spmem:s1] =	stream.indirect.scatter.add.f32 [tilespmem:s15], [sflag:$0x2], $0x40, s19, s14, $0xb8;
	[tilespmem:$0x10220] =	vst v63  }
0x2c: {  	_ =	swait.ge [sflag:s12], $0x1400  }
0x2d: {  	s19 =	smov.u32 s21;
	[sflag:s12] =	ssyncset.done $0x0  }
0x2e: {  	s18 =	sshra.s32 s18, $0x2;
	[sflag:s12] =	ssyncadd.s32 $0xFFFFEC00  }
0x2f: {  	[tilespmem:s15], [sflag:$0x1] =	stream.indirect.gather [hbm4b:s4+s14], $0x40, s18, s14, $0xb8;
	[tilespmem:$0x10220] =	vst v63  }
0x30: {  	_ =	swait.ge [sflag:s16], $0x1400  }
0x31: {  	[sflag:s16] =	ssyncset.done $0x0  }
0x32: {  	s18 =	sadd.s32 $0x2710, s18;
	[sflag:s16] =	ssyncadd.s32 $0xFFFFEC00  }
0x33: {  	[spmem:s1] =	stream.indirect.scatter.add.f32 [tilespmem:s15], [sflag:$0x2], $0x40, s18, s14, $0xb8;
	[tilespmem:$0x10220] =	vst v63  }
0x34: {  	_ =	swait.ge [sflag:s12], $0x1400  }
0x35: {  	s17 =	sadd.s32 $0x1, s17;
	[sflag:s12] =	ssyncset.done $0x0  }
0x36: {  	p0 =	sne.s32 s17, s9;
	[sflag:s12] =	ssyncadd.s32 $0xFFFFEC00  }
.Ltmp1:
0x37: {  	[bflag:$0x0] =	sbarrier.arrive $0xFFFF;
	(pc) =	sbr.rel @p0 .LBB2_1-.Ltmp1, $4  }
0x38: {  	[hbm:s10], [sflag:s6] =	dma.local [spmem:s11], $0x1400  }
0x39: {  	_ =	swait.ge [sflag:s12], $0x1400  }
0x3a: {  	[sflag:s12] =	ssyncset.done $0x0  }
0x3b: {  	[sflag:s12] =	ssyncadd.s32 $0xFFFFEC00  }
0x3c: {  	_ =	sfence.sel $0x180000  }
0x3d: {  	[bflag:$0x0] =	sbarrier.arrive $0xFFFF  }
0x3e: {  	p0 =	sne.s32 s2, $0x0;
	_ =	strace $0x9000004A  }
0x3f: {  	s0 =	sadd.s32 @!p0 $0x100000, s0;
	[bflag:$0x2] =	sbarrier.arrive $0xFFFF  }
0x40: {  	[sflag:s0] =	ssyncadd.tile.s32 @!p0 $0x1;
	_ =	shalt  }
.Lfunc_end2:
_tile_overlayer_lowered:
.L_overlay_start_2:
0x41: {  	(tag) =	ssettag $0x2  }
0x42: {  	s0 =	rddreg [dreg:$0x0];
	s2 =	stileid.u32  }
0x43: {  	s1 =	rddreg [dreg:$0x1];
	p0 =	sne.s32 s2, $0x0  }
0x44: {  	s3 =	rddreg [dreg:$0x2];
	[bflag:$0x3] =	sbarrier.arrive $0xFFFF;
	s2 =	simm.s32 @!p0 $0x1C02  }
0x45: {  	[timem:s3], [sflag:s2] =	dma.local @!p0 [hbm:s0], s1  }
0x46: {  	s0 =	simm.s32 @!p0 $0x2  }
0x47: {  	_ =	swait.ge @!p0 [sflag:s0], s1  }
0x48: {  	s1 =	ssub.s32 @!p0 $0x0, s1;
	[sflag:s0] =	ssyncset.done @!p0 $0x0  }
0x49: {  	[sflag:s0] =	ssyncadd.s32 @!p0 s1  }
0x4a: {  	[bflag:$0x3] =	sbarrier.arrive $0xFFFF  }
0x4b: {  	_ =	shalt  }

// kernel: kernel.14.cloned.1.call-start
scs
__scs_entry_jumppad:
0x0: {  	(pc) =	sbr.rel $0x88, $3  }
0x1: {  	(tag) =	ssettag $0x0;
	lr =	simm.s32 $0x1  }
0x2: {  	[smem:$0x3F9B] =	sst lr;
	_ =	strace $0xD0000000  }
0x3: {  	_ = 	snop  }
0x4: {  	_ = 	snop  }
0x5: {  	_ = 	snop  }
0x6: {  	_ = 	snop  }
0x7: {  	_ = 	snop  }
__scs_overlays_trampoline_lowered:
0x8: {  	[smem:$0x3FAA] =	sst s0  }
0x9: {  	[smem:$0x3FAB] =	sst s1  }
0xa: {  	[smem:$0x3FAC] =	sst s2  }
0xb: {  	[smem:$0x3FAD] =	sst s3  }
0xc: {  	[smem:$0x3FAE] =	sst s4  }
0xd: {  	[smem:$0x3FAF] =	sst s5  }
0xe: {  	[smem:$0x3FB0] =	sst s6  }
0xf: {  	[smem:$0x3FB1] =	sst s7  }
0x10: {  	[smem:$0x3FB2] =	sst s8  }
0x11: {  	[smem:$0x3FB3] =	sst s9;
	s0 =	simm.s32 @!p0 $0x0  }
0x12: {  	s1 =	sld [smem:$0x3F99];
	s0 =	simm.s32 @p0 $0x1  }
0x13: {  	[smem:$0x3FB4] =	sst s0;
	s0 =	simm.s32 @!p1 $0x0  }
0x14: {  	s2 =	sld [smem:$0x3F98];
	s0 =	simm.s32 @p1 $0x1  }
0x15: {  	[smem:$0x3FB5] =	sst s0;
	s0 =	simm.s32 @!p2 $0x0  }
0x16: {  	s3 =	sld [smem:$0x3FDB];
	s0 =	simm.s32 @p2 $0x1  }
0x17: {  	s4 =	simm.s32 $0x1BF5;
	[smem:$0x3FB7] =	sst s0  }
0x18: {  	s0 =	sld [smem:$0x3F9A];
	_ =	swait.ge [sflag:s4], $0x0  }
0x19: {  	s7 =	sld [smem:$0x3F9B]  }
0x1a: {  	s8 =	sadd.s32 $0xFFFFE003, lr  }
0x1b: {  	s9 =	sadd.s32 $0xFFFFFEF7, lr;
	s5 =	simm.s32 $0xFFFFFFFF;
	p2 =	slt.u32 s8, $0xFFFFF086  }
0x1c: {  	p1 =	slt.u32 s9, $0xF7A;
	s5 =	simm.s32 @!p2 $0x0  }
0x1d: {  	s5 =	simm.s32 @p1 $0x1;
	p0 =	seq.s32 s7, s2  }
0x1e: {  	s7 =	smul.u32 @!p0 $0xF7A, s2;
	p2 =	seq.s32 @!p0 s5, $0x0  }
0x1f: {  	s9 =	smul.u32 $0xF7A, s1;
	s8 =	simm.s32 @!p0 $0x1BF5;
	p2 =	por !p2, p0  }
0x20: {  	[sflag:s8] =	ssyncset.s32 @!p0 $0xFFFFF086;
	s6 =	sadd.s32 @!p0 s3, s7;
	s7 =	simm.s32 @!p0 $0x108  }
0x21: {  	s3 =	sadd.s32 s3, s9;
	s6 =	sadd.s32 @!p0 $0x88, s6;
	s7 =	simm.s32 @p2 $0x1082  }
0x22: {  	[simem:s7], [sflag:s8] =	dma.local @!p0 [hbm:s6], $0xF7A  }
0x23: {  	s9 =	sor.u32 $0xD0000000, s2;
	s6 =	simm.s32 $0x108;
	_ =	swait.ge @!p0 [sflag:s8], $0x0  }
0x24: {  	s3 =	sadd.s32 $0x88, s3;
	s6 =	simm.s32 @!p1 $0x1082;
	[sflag:s4] =	ssyncset.s32 $0xFFFFF086  }
0x25: {  	[simem:s6], [sflag:s4] =	dma.local [hbm:s3], $0xF7A  }
0x26: {  	[smem:$0x3F9B] =	sst s1;
	(tag) =	ssettag s2;
	_ =	strace s9  }
0x27: {  	s1 =	sld [smem:$0x3FAB]  }
0x28: {  	s2 =	sld [smem:$0x3FAC]  }
0x29: {  	s4 =	sld [smem:$0x3FAE]  }
0x2a: {  	p0 =	seq.s32 s5, $0x0;
	s5 =	sld [smem:$0x3FAF]  }
0x2b: {  	s6 =	sld [smem:$0x3FB0]  }
0x2c: {  	s7 =	sld [smem:$0x3FB1]  }
0x2d: {  	s3 =	simm.s32 $0x108;
	s8 =	sld [smem:$0x3FB2]  }
0x2e: {  	s3 =	simm.s32 @!p0 $0x1082;
	s9 =	sld [smem:$0x3FB3]  }
0x2f: {  	lr =	sadd.s32 s0, s3;
	s0 =	sld [smem:$0x3FAA]  }
0x30: {  	s3 =	sld [smem:$0x3FAD]  }
0x31: {  	[smem:$0x3FB6] =	sst s10  }
0x32: {  	s10 =	sld [smem:$0x3FB4];
	_ =	sdelay $0x3  }
0x33: {  	p0 =	seq.s32 s10, $0x1;
	s10 =	sld [smem:$0x3FB6];
	_ =	sdelay $0x3  }
0x34: {  	[smem:$0x3FB6] =	sst s10  }
0x35: {  	s10 =	sld [smem:$0x3FB5];
	_ =	sdelay $0x3  }
0x36: {  	p1 =	seq.s32 s10, $0x1;
	s10 =	sld [smem:$0x3FB6];
	_ =	sdelay $0x3  }
0x37: {  	[smem:$0x3FB6] =	sst s10  }
0x38: {  	s10 =	sld [smem:$0x3FB7]  }
0x39: {  	_ = 	snop;
	(pc) =	sbr.ind lr, $3  }
0x3a: {  	_ = 	snop  }
0x3b: {  	_ = 	snop  }
0x3c: {  	p2 =	seq.s32 s10, $0x1;
	s10 =	sld [smem:$0x3FB6]  }
0x3d: {  	_ =	shalt  }
0x3e: {  	_ =	shalt  }
0x3f: {  	_ =	shalt  }
0x40: {  	_ =	shalt  }
0x41: {  	_ =	shalt  }
0x42: {  	_ =	shalt  }
0x43: {  	_ =	shalt  }
0x44: {  	_ =	shalt  }
0x45: {  	_ =	shalt  }
0x46: {  	_ =	shalt  }
0x47: {  	_ =	shalt  }
0x48: {  	_ =	shalt  }
0x49: {  	_ =	shalt  }
0x4a: {  	_ =	shalt  }
0x4b: {  	_ =	shalt  }
0x4c: {  	_ =	shalt  }
0x4d: {  	_ =	shalt  }
0x4e: {  	_ =	shalt  }
0x4f: {  	_ =	shalt  }
0x50: {  	_ =	shalt  }
0x51: {  	_ =	shalt  }
0x52: {  	_ =	shalt  }
0x53: {  	_ =	shalt  }
0x54: {  	_ =	shalt  }
0x55: {  	_ =	shalt  }
0x56: {  	_ =	shalt  }
0x57: {  	_ =	shalt  }
0x58: {  	_ =	shalt  }
0x59: {  	_ =	shalt  }
0x5a: {  	_ =	shalt  }
0x5b: {  	_ =	shalt  }
0x5c: {  	_ =	shalt  }
0x5d: {  	_ =	shalt  }
0x5e: {  	_ =	shalt  }
0x5f: {  	_ =	shalt  }
0x60: {  	_ =	shalt  }
0x61: {  	_ =	shalt  }
0x62: {  	_ =	shalt  }
0x63: {  	_ =	shalt  }
0x64: {  	_ =	shalt  }
0x65: {  	_ =	shalt  }
0x66: {  	_ =	shalt  }
0x67: {  	_ =	shalt  }
0x68: {  	_ =	shalt  }
0x69: {  	_ =	shalt  }
0x6a: {  	_ =	shalt  }
0x6b: {  	_ =	shalt  }
0x6c: {  	_ =	shalt  }
0x6d: {  	_ =	shalt  }
0x6e: {  	_ =	shalt  }
0x6f: {  	_ =	shalt  }
0x70: {  	_ =	shalt  }
0x71: {  	_ =	shalt  }
0x72: {  	_ =	shalt  }
0x73: {  	_ =	shalt  }
0x74: {  	_ =	shalt  }
0x75: {  	_ =	shalt  }
0x76: {  	_ =	shalt  }
0x77: {  	_ =	shalt  }
0x78: {  	_ =	shalt  }
0x79: {  	_ =	shalt  }
0x7a: {  	_ =	shalt  }
0x7b: {  	_ =	shalt  }
0x7c: {  	_ =	shalt  }
0x7d: {  	_ =	shalt  }
0x7e: {  	_ =	shalt  }
0x7f: {  	_ =	shalt  }
0x80: {  	_ =	shalt  }
0x81: {  	_ =	shalt  }
0x82: {  	_ =	shalt  }
0x83: {  	_ =	shalt  }
0x84: {  	_ =	shalt  }
0x85: {  	_ =	shalt  }
0x86: {  	_ =	shalt  }
0x87: {  	_ =	shalt  }
.Lfunc_end0:
.L_simem_size_0:
called_computation.2_lowered:
.L_overlay_start_0:
0x88: {  	s2 =	sld [smem:$0x3FD9]  }
0x89: {  	s3 =	sld [smem:$0x3FFE];
	_ =	sdelay $0x1  }
0x8a: {  	s1 =	srdreg.scid  }
0x8b: {  	s0 =	sand.u32 $0x1, s1  }
0x8c: {  	s17 =	sshll.u32 s0, $0xA;
	s2 =	sadd.s32 s3, s2  }
0x8d: {  	s2 =	sadd.s32 s2, s17  }
0x8e: {  	[smem:$0x3FC2] =	sst s2  }
0x8f: {  	_ = 	snop  }
0x90: {  	s2 =	sld [smem:$0x3FD0];
	(tm) =	ssettm $0x1  }
0x91: {  	s18 =	sld [smem:$0x3FFB];
	_ =	sdelay $0x3  }
0x92: {  	_ =	strace s18  }
0x93: {  	s3 =	sld [smem:$0x3FFC];
	_ =	sdelay $0x3  }
0x94: {  	_ =	strace s3  }
0x95: {  	s3 =	sld [smem:$0x3FFD];
	_ =	sdelay $0x3  }
0x96: {  	_ =	strace s3  }
0x97: {  	_ =	strace $0x8FFFFFFF  }
0x98: {  	s19 =	sld [smem:$0x3FDB];
	_ =	sdelay $0x1  }
0x99: {  	s4 =	simm.s32 $_scs_section_size  }
0x9a: {  	s5 =	simm.s32 $_size__tile_overlayer_lowered;
	s6 =	simm.s32 $_tile_overlayer_lowered  }
0x9b: {  	s22 =	simm.s32 $0x1BFF;
	s21 =	sshll.u32 s6, $0x1;
	s3 =	sadd.s32 s4, s19  }
0x9c: {  	s7 =	simm.s32 $0x0;
	s20 =	sshll.u32 s5, $0x1;
	s5 =	sadd.s32 s21, s3  }
0x9d: {  	[timem:s7], [sflag:s22] =	dma.local [hbm:s5], s20  }
0x9e: {  	_ =	swait.ge [sflag:s22], s20  }
0x9f: {  	s4 =	ssub.s32 $0x0, s20;
	[sflag:s22] =	ssyncset.done $0x0  }
0xa0: {  	[sflag:s22] =	ssyncadd.s32 s4;
	_ =	sdelay $0x1  }
0xa1: {  	s23 =	simm.s32 $0x1B8B  }
0xa2: {  	_ =	swait.ge [sflag:s23], $0x1  }
0xa3: {  	[sflag:s23] =	ssyncset.done $0x0  }
0xa4: {  	s25 =	simm.s32 $0x1B8E;
	s24 =	sld [smem:$0x3FFE];
	[sflag:s23] =	ssyncadd.s32 $0xFFFFFFFF  }
0xa5: {  	s26 =	simm.s32 $execute0_lowered;
	[smem:$0x3FD2] =	sst s25  }
0xa6: {  	s5 =	sshll.u32 s26, $0x1;
	_ =	strace $0x8000004C;
	[dreg:$0x1] =	wrdreg $0xFFFFFFFF  }
0xa7: {  	s28 =	simm.s32 $_size_execute0_lowered;
	s3 =	sadd.s32 s3, s5;
	[dreg:$0x0] =	wrdreg $0x0  }
0xa8: {  	s5 =	sshll.u32 s28, $0x1;
	[dreg:$0x2] =	wrdreg s3  }
0xa9: {  	[dreg:$0x3] =	wrdreg s5  }
0xaa: {  	[dreg:$0x4] =	wrdreg $0xC0  }
0xab: {  	_ =	task [dreg:s7], $0x5FFFF  }
0xac: {  	[dreg:$0x1] =	wrdreg $0xFFFFFFFF  }
0xad: {  	[dreg:$0x0] =	wrdreg $0x60  }
0xae: {  	[dreg:$0x2] =	wrdreg s2  }
0xaf: {  	[dreg:$0x3] =	wrdreg s24  }
0xb0: {  	[dreg:$0x4] =	wrdreg $0x76200  }
0xb1: {  	[dreg:$0x5] =	wrdreg $0x9  }
0xb2: {  	_ =	task.clear_ibuf [dreg:s7], $0x6FFFF;
	_ =	strace $0x9000004C  }
0xb3: {  	s29 =	simm.s32 $0x9;
	_ =	strace $0x8000004E  }
0xb4: {  	_ =	swait.ge [sflag:s29], $0x1  }
0xb5: {  	[sflag:s29] =	ssyncadd.s32 $0xFFFFFFFF  }
0xb6: {  	_ =	strace $0x9000004E  }
0xb7: {  	_ =	sfence  }
0xb8: {  	s30 =	sld [smem:$0x0];
	_ =	sdelay $0x2  }
0xb9: {  	s31 =	sshll.u32 s1, $0xD;
	s1 =	sshrl.u32 s1, $0x2  }
0xba: {  	s3 =	sand.u32 $0x4000, s31;
	s1 =	sadd.s32 s1, s30  }
0xbb: {  	s0 =	sor.u32 s3, s0;
	s1 =	sshll.u32 s1, $0x11  }
0xbc: {  	s0 =	sor.u32 s1, s0  }
0xbd: {  	s0 =	sadd.s32 $0x8F2B, s0  }
0xbe: {  	[sflag:s0] =	ssyncadd.remote.s32 $0x1  }
0xbf: {  	_ =	sfence.sel $0xFFFF  }
0xc0: {  	[dreg:$0x0] =	wrdreg $0xFFFFFFFF;
	(pc) =	sbr.abs _section_cstart, $3  }
0xc1: {  	[dreg:$0x1] =	wrdreg $0xFFFFFFFF  }
0xc2: {  	_ =	task.clear_ibuf [dreg:s7], $0x2FFFF;
	_ =	strace $0x9FFFFFFF  }
0xc3: {  	(tm) =	ssettm $0x7FFFFFFF  }
tec
execute0_lowered:
.L_overlay_start_1:
0x0: {  	(tag) =	ssettag $0x1  }
0x1: {  	s2 =	rddreg [dreg:$0x0]  }
0x2: {  	s5 =	rddreg [dreg:$0x1]  }
0x3: {  	s3 =	rddreg [dreg:$0x2]  }
0x4: {  	s0 =	rddreg [dreg:$0x3]  }
0x5: {  	s1 =	stileid.u32;
	s6 =	srdreg.scid;
	s4 =	simm.s32 $0x0  }
0x6: {  	s13 =	simm.s32 $0x2710;
	s14 =	simm.s32 $0x50;
	s15 =	simm.s32 $0x4E20  }
0x7: {  	s16 =	simm.s32 $0x1;
	s17 =	simm.s32 $0x0;
	s7 =	smul.u32 $0x14000, s1  }
0x8: {  	s6 =	sand.u32 $0x1, s6;
	s8 =	sshll.u32 s1, $0x1;
	[smem:$0x7FF] =	sst s4  }
0x9: {  	s31 =	sshll.u32 s1, $0x6;
	s8 =	sor.u32 s6, s8;
	_ =	strace $0x8000004D  }
0xa: {  	p0 =	seq.s32 s6, $0x1;
	s6 =	ssub.s32 $0x2, s6;
	s9 =	sshrl.u32 s7, $0x3  }
0xb: {  	s8 =	smul.u32 $0x2710, s8;
	s28 =	sshrl.u32 s6, $0x1;
	s30 =	sadd.s32 s7, s3  }
0xc: {  	s10 =	sadd.s32 s9, s5;
	s11 =	sadd.s32 $0x28000, s9;
	s29 =	ssub.s32 s6, s28  }
0xd: {  	s6 =	sor.u32 $0x1C02, s31;
	s8 =	sshrl.u32 s8, $0x3;
	s9 =	smov.u32 @p0 s11  }
0xe: {  	s11 =	sshrl.u32 s30, $0x3;
	s8 =	sadd.s32 s8, s5;
	s12 =	sadd.s32 s9, s5  }
0xf: {  	s5 =	sadd.s32 $0x16000, s10;
	s9 =	smax.u32 s29, $0x1;
	s7 =	sadd.s32 $0x2600, s8  }
0x10: {  	s8 =	sadd.s32 $0xC240, s8;
	s10 =	sadd.s32 $0x3E000, s12;
	s12 =	simm.s32 $0x2  }
.LBB2_1:
0x11: {  	[spmem:s11], [sflag:s6] =	dma.local [hbm:s5], $0x2800  }
0x12: {  	_ =	swait.ge [sflag:s12], $0x2800  }
0x13: {  	[sflag:s12] =	ssyncset.done $0x0  }
0x14: {  	[sflag:s12] =	ssyncadd.s32 $0xFFFFD800  }
0x15: {  	[tilespmem:s4], [sflag:$0x2] =	stream.linear.gather [hbm4b:s7+s4], $0x2710, $0x38;
	[tilespmem:$0x1B620] =	vst v63  }
0x16: {  	_ =	swait.ge [sflag:s12], $0x2710  }
0x17: {  	[sflag:s12] =	ssyncset.done $0x0  }
0x18: {  	[sflag:s12] =	ssyncadd.s32 $0xFFFFD8F0  }
0x19: {  	[tilespmem:s13], [sflag:$0x2] =	stream.linear.gather [hbm4b:s8+s4], $0x2710, $0x38;
	[tilespmem:$0x1B620] =	vst v63  }
0x1a: {  	_ =	swait.ge [sflag:s12], $0x2710  }
0x1b: {  	[sflag:s12] =	ssyncset.done $0x0  }
0x1c: {  	[sflag:s12] =	ssyncadd.s32 $0xFFFFD8F0  }
0x1d: {  	s18 =	simm.s32 $0x0;
	[bflag:$0x0] =	sbarrier.arrive $0xFFFF  }
0x1e: {  	[tilespmem:s15], [sflag:$0x1] =	stream.indirect.gather [hbm4b:s2+s14], $0x80, s18, s14, $0xb8;
	[tilespmem:$0x1B620] =	vst v63  }
0x1f: {  	_ =	swait.ge [sflag:s16], $0x2800  }
0x20: {  	[sflag:s16] =	ssyncset.done $0x0  }
0x21: {  	s31 =	simm.s32 $0x2710;
	[sflag:s16] =	ssyncadd.s32 $0xFFFFD800  }
0x22: {  	[spmem:s3] =	stream.indirect.scatter.add.f32 [tilespmem:s15], [sflag:$0x2], $0x80, s31, s14, $0xb8;
	[tilespmem:$0x1B620] =	vst v63  }
0x23: {  	_ =	swait.ge [sflag:s12], $0x2800  }
0x24: {  	s19 =	simm.s32 $0x280;
	s18 =	simm.s32 $0x140;
	[sflag:s12] =	ssyncset.done $0x0  }
.LBB2_2:
0x25: {  	s20 =	sshra.s32 s18, $0x2  }
0x26: {  	[sflag:s12] =	ssyncadd.s32 $0xFFFFD800;
	s18 =	smov.u32 s19;
	s21 =	sadd.s32 $0x140, s19  }
0x27: {  	[tilespmem:s15], [sflag:$0x1] =	stream.indirect.gather [hbm4b:s2+s14], $0x80, s20, s14, $0xb8;
	[tilespmem:$0x1B620] =	vst v63  }
0x28: {  	p0 =	sne.s32 s19, $0x9B00;
	_ =	swait.ge [sflag:s16], $0x2800  }
.Ltmp0:
0x29: {  	[sflag:s16] =	ssyncset.done $0x0;
	(pc) =	sbr.rel @p0 .LBB2_2-.Ltmp0, $4  }
0x2a: {  	s19 =	sadd.s32 $0x2710, s20;
	[sflag:s16] =	ssyncadd.s32 $0xFFFFD800  }
0x2b: {  	[spmem:s3] =	stream.indirect.scatter.add.f32 [tilespmem:s15], [sflag:$0x2], $0x80, s19, s14, $0xb8;
	[tilespmem:$0x1B620] =	vst v63  }
0x2c: {  	_ =	swait.ge [sflag:s12], $0x2800  }
0x2d: {  	s19 =	smov.u32 s21;
	[sflag:s12] =	ssyncset.done $0x0  }
0x2e: {  	s18 =	sshra.s32 s18, $0x2;
	[sflag:s12] =	ssyncadd.s32 $0xFFFFD800  }
0x2f: {  	[tilespmem:s15], [sflag:$0x1] =	stream.indirect.gather [hbm4b:s2+s14], $0x80, s18, s14, $0xb8;
	[tilespmem:$0x1B620] =	vst v63  }
0x30: {  	_ =	swait.ge [sflag:s16], $0x2800  }
0x31: {  	[sflag:s16] =	ssyncset.done $0x0  }
0x32: {  	s18 =	sadd.s32 $0x2710, s18;
	[sflag:s16] =	ssyncadd.s32 $0xFFFFD800  }
0x33: {  	[spmem:s3] =	stream.indirect.scatter.add.f32 [tilespmem:s15], [sflag:$0x2], $0x80, s18, s14, $0xb8;
	[tilespmem:$0x1B620] =	vst v63  }
0x34: {  	_ =	swait.ge [sflag:s12], $0x2800  }
0x35: {  	s17 =	sadd.s32 $0x1, s17;
	[sflag:s12] =	ssyncset.done $0x0  }
0x36: {  	p0 =	sne.s32 s17, s9;
	[sflag:s12] =	ssyncadd.s32 $0xFFFFD800  }
.Ltmp1:
0x37: {  	[bflag:$0x0] =	sbarrier.arrive $0xFFFF;
	(pc) =	sbr.rel @p0 .LBB2_1-.Ltmp1, $4  }
0x38: {  	[hbm:s10], [sflag:s6] =	dma.local [spmem:s11], $0x2800  }
0x39: {  	_ =	swait.ge [sflag:s12], $0x2800  }
0x3a: {  	[sflag:s12] =	ssyncset.done $0x0  }
0x3b: {  	[sflag:s12] =	ssyncadd.s32 $0xFFFFD800  }
0x3c: {  	_ =	sfence.sel $0x180000  }
0x3d: {  	[bflag:$0x0] =	sbarrier.arrive $0xFFFF  }
0x3e: {  	p0 =	sne.s32 s1, $0x0;
	_ =	strace $0x9000004D  }
0x3f: {  	s0 =	sadd.s32 @!p0 $0x100000, s0;
	[bflag:$0x2] =	sbarrier.arrive $0xFFFF  }
0x40: {  	[sflag:s0] =	ssyncadd.tile.s32 @!p0 $0x1;
	_ =	shalt  }
.Lfunc_end2:
_tile_overlayer_lowered:
.L_overlay_start_2:
0x41: {  	(tag) =	ssettag $0x2  }
0x42: {  	s0 =	rddreg [dreg:$0x0];
	s2 =	stileid.u32  }
0x43: {  	s1 =	rddreg [dreg:$0x1];
	p0 =	sne.s32 s2, $0x0  }
0x44: {  	s3 =	rddreg [dreg:$0x2];
	[bflag:$0x3] =	sbarrier.arrive $0xFFFF;
	s2 =	simm.s32 @!p0 $0x1C02  }
0x45: {  	[timem:s3], [sflag:s2] =	dma.local @!p0 [hbm:s0], s1  }
0x46: {  	s0 =	simm.s32 @!p0 $0x2  }
0x47: {  	_ =	swait.ge @!p0 [sflag:s0], s1  }
0x48: {  	s1 =	ssub.s32 @!p0 $0x0, s1;
	[sflag:s0] =	ssyncset.done @!p0 $0x0  }
0x49: {  	[sflag:s0] =	ssyncadd.s32 @!p0 s1  }
0x4a: {  	[bflag:$0x3] =	sbarrier.arrive $0xFFFF  }
0x4b: {  	_ =	shalt  }

// kernel: kernel.8.cloned.1.call-start
scs
__scs_entry_jumppad:
0x0: {  	(pc) =	sbr.rel $0x88, $3  }
0x1: {  	(tag) =	ssettag $0x0;
	lr =	simm.s32 $0x1  }
0x2: {  	[smem:$0x3F9B] =	sst lr;
	_ =	strace $0xD0000000  }
0x3: {  	_ = 	snop  }
0x4: {  	_ = 	snop  }
0x5: {  	_ = 	snop  }
0x6: {  	_ = 	snop  }
0x7: {  	_ = 	snop  }
__scs_overlays_trampoline_lowered:
0x8: {  	[smem:$0x3FAA] =	sst s0  }
0x9: {  	[smem:$0x3FAB] =	sst s1  }
0xa: {  	[smem:$0x3FAC] =	sst s2  }
0xb: {  	[smem:$0x3FAD] =	sst s3  }
0xc: {  	[smem:$0x3FAE] =	sst s4  }
0xd: {  	[smem:$0x3FAF] =	sst s5  }
0xe: {  	[smem:$0x3FB0] =	sst s6  }
0xf: {  	[smem:$0x3FB1] =	sst s7  }
0x10: {  	[smem:$0x3FB2] =	sst s8  }
0x11: {  	[smem:$0x3FB3] =	sst s9;
	s0 =	simm.s32 @!p0 $0x0  }
0x12: {  	s1 =	sld [smem:$0x3F99];
	s0 =	simm.s32 @p0 $0x1  }
0x13: {  	[smem:$0x3FB4] =	sst s0;
	s0 =	simm.s32 @!p1 $0x0  }
0x14: {  	s2 =	sld [smem:$0x3F98];
	s0 =	simm.s32 @p1 $0x1  }
0x15: {  	[smem:$0x3FB5] =	sst s0;
	s0 =	simm.s32 @!p2 $0x0  }
0x16: {  	s3 =	sld [smem:$0x3FDB];
	s0 =	simm.s32 @p2 $0x1  }
0x17: {  	s4 =	simm.s32 $0x1BF5;
	[smem:$0x3FB7] =	sst s0  }
0x18: {  	s0 =	sld [smem:$0x3F9A];
	_ =	swait.ge [sflag:s4], $0x0  }
0x19: {  	s7 =	sld [smem:$0x3F9B]  }
0x1a: {  	s8 =	sadd.s32 $0xFFFFE003, lr  }
0x1b: {  	s9 =	sadd.s32 $0xFFFFFEF7, lr;
	s5 =	simm.s32 $0xFFFFFFFF;
	p2 =	slt.u32 s8, $0xFFFFF086  }
0x1c: {  	p1 =	slt.u32 s9, $0xF7A;
	s5 =	simm.s32 @!p2 $0x0  }
0x1d: {  	s5 =	simm.s32 @p1 $0x1;
	p0 =	seq.s32 s7, s2  }
0x1e: {  	s7 =	smul.u32 @!p0 $0xF7A, s2;
	p2 =	seq.s32 @!p0 s5, $0x0  }
0x1f: {  	s9 =	smul.u32 $0xF7A, s1;
	s8 =	simm.s32 @!p0 $0x1BF5;
	p2 =	por !p2, p0  }
0x20: {  	[sflag:s8] =	ssyncset.s32 @!p0 $0xFFFFF086;
	s6 =	sadd.s32 @!p0 s3, s7;
	s7 =	simm.s32 @!p0 $0x108  }
0x21: {  	s3 =	sadd.s32 s3, s9;
	s6 =	sadd.s32 @!p0 $0x88, s6;
	s7 =	simm.s32 @p2 $0x1082  }
0x22: {  	[simem:s7], [sflag:s8] =	dma.local @!p0 [hbm:s6], $0xF7A  }
0x23: {  	s9 =	sor.u32 $0xD0000000, s2;
	s6 =	simm.s32 $0x108;
	_ =	swait.ge @!p0 [sflag:s8], $0x0  }
0x24: {  	s3 =	sadd.s32 $0x88, s3;
	s6 =	simm.s32 @!p1 $0x1082;
	[sflag:s4] =	ssyncset.s32 $0xFFFFF086  }
0x25: {  	[simem:s6], [sflag:s4] =	dma.local [hbm:s3], $0xF7A  }
0x26: {  	[smem:$0x3F9B] =	sst s1;
	(tag) =	ssettag s2;
	_ =	strace s9  }
0x27: {  	s1 =	sld [smem:$0x3FAB]  }
0x28: {  	s2 =	sld [smem:$0x3FAC]  }
0x29: {  	s4 =	sld [smem:$0x3FAE]  }
0x2a: {  	p0 =	seq.s32 s5, $0x0;
	s5 =	sld [smem:$0x3FAF]  }
0x2b: {  	s6 =	sld [smem:$0x3FB0]  }
0x2c: {  	s7 =	sld [smem:$0x3FB1]  }
0x2d: {  	s3 =	simm.s32 $0x108;
	s8 =	sld [smem:$0x3FB2]  }
0x2e: {  	s3 =	simm.s32 @!p0 $0x1082;
	s9 =	sld [smem:$0x3FB3]  }
0x2f: {  	lr =	sadd.s32 s0, s3;
	s0 =	sld [smem:$0x3FAA]  }
0x30: {  	s3 =	sld [smem:$0x3FAD]  }
0x31: {  	[smem:$0x3FB6] =	sst s10  }
0x32: {  	s10 =	sld [smem:$0x3FB4];
	_ =	sdelay $0x3  }
0x33: {  	p0 =	seq.s32 s10, $0x1;
	s10 =	sld [smem:$0x3FB6];
	_ =	sdelay $0x3  }
0x34: {  	[smem:$0x3FB6] =	sst s10  }
0x35: {  	s10 =	sld [smem:$0x3FB5];
	_ =	sdelay $0x3  }
0x36: {  	p1 =	seq.s32 s10, $0x1;
	s10 =	sld [smem:$0x3FB6];
	_ =	sdelay $0x3  }
0x37: {  	[smem:$0x3FB6] =	sst s10  }
0x38: {  	s10 =	sld [smem:$0x3FB7]  }
0x39: {  	_ = 	snop;
	(pc) =	sbr.ind lr, $3  }
0x3a: {  	_ = 	snop  }
0x3b: {  	_ = 	snop  }
0x3c: {  	p2 =	seq.s32 s10, $0x1;
	s10 =	sld [smem:$0x3FB6]  }
0x3d: {  	_ =	shalt  }
0x3e: {  	_ =	shalt  }
0x3f: {  	_ =	shalt  }
0x40: {  	_ =	shalt  }
0x41: {  	_ =	shalt  }
0x42: {  	_ =	shalt  }
0x43: {  	_ =	shalt  }
0x44: {  	_ =	shalt  }
0x45: {  	_ =	shalt  }
0x46: {  	_ =	shalt  }
0x47: {  	_ =	shalt  }
0x48: {  	_ =	shalt  }
0x49: {  	_ =	shalt  }
0x4a: {  	_ =	shalt  }
0x4b: {  	_ =	shalt  }
0x4c: {  	_ =	shalt  }
0x4d: {  	_ =	shalt  }
0x4e: {  	_ =	shalt  }
0x4f: {  	_ =	shalt  }
0x50: {  	_ =	shalt  }
0x51: {  	_ =	shalt  }
0x52: {  	_ =	shalt  }
0x53: {  	_ =	shalt  }
0x54: {  	_ =	shalt  }
0x55: {  	_ =	shalt  }
0x56: {  	_ =	shalt  }
0x57: {  	_ =	shalt  }
0x58: {  	_ =	shalt  }
0x59: {  	_ =	shalt  }
0x5a: {  	_ =	shalt  }
0x5b: {  	_ =	shalt  }
0x5c: {  	_ =	shalt  }
0x5d: {  	_ =	shalt  }
0x5e: {  	_ =	shalt  }
0x5f: {  	_ =	shalt  }
0x60: {  	_ =	shalt  }
0x61: {  	_ =	shalt  }
0x62: {  	_ =	shalt  }
0x63: {  	_ =	shalt  }
0x64: {  	_ =	shalt  }
0x65: {  	_ =	shalt  }
0x66: {  	_ =	shalt  }
0x67: {  	_ =	shalt  }
0x68: {  	_ =	shalt  }
0x69: {  	_ =	shalt  }
0x6a: {  	_ =	shalt  }
0x6b: {  	_ =	shalt  }
0x6c: {  	_ =	shalt  }
0x6d: {  	_ =	shalt  }
0x6e: {  	_ =	shalt  }
0x6f: {  	_ =	shalt  }
0x70: {  	_ =	shalt  }
0x71: {  	_ =	shalt  }
0x72: {  	_ =	shalt  }
0x73: {  	_ =	shalt  }
0x74: {  	_ =	shalt  }
0x75: {  	_ =	shalt  }
0x76: {  	_ =	shalt  }
0x77: {  	_ =	shalt  }
0x78: {  	_ =	shalt  }
0x79: {  	_ =	shalt  }
0x7a: {  	_ =	shalt  }
0x7b: {  	_ =	shalt  }
0x7c: {  	_ =	shalt  }
0x7d: {  	_ =	shalt  }
0x7e: {  	_ =	shalt  }
0x7f: {  	_ =	shalt  }
0x80: {  	_ =	shalt  }
0x81: {  	_ =	shalt  }
0x82: {  	_ =	shalt  }
0x83: {  	_ =	shalt  }
0x84: {  	_ =	shalt  }
0x85: {  	_ =	shalt  }
0x86: {  	_ =	shalt  }
0x87: {  	_ =	shalt  }
.Lfunc_end0:
.L_simem_size_0:
called_computation_lowered:
.L_overlay_start_0:
0x88: {  	s2 =	sld [smem:$0x3FD9]  }
0x89: {  	s3 =	sld [smem:$0x3FFE];
	_ =	sdelay $0x1  }
0x8a: {  	s1 =	srdreg.scid  }
0x8b: {  	s0 =	sand.u32 $0x1, s1  }
0x8c: {  	s17 =	sshll.u32 s0, $0xA;
	s2 =	sadd.s32 s3, s2  }
0x8d: {  	s2 =	sadd.s32 s2, s17  }
0x8e: {  	[smem:$0x3FC2] =	sst s2  }
0x8f: {  	_ = 	snop  }
0x90: {  	s2 =	sld [smem:$0x3FD0];
	(tm) =	ssettm $0x1  }
0x91: {  	s18 =	sld [smem:$0x3FFB];
	_ =	sdelay $0x3  }
0x92: {  	_ =	strace s18  }
0x93: {  	s3 =	sld [smem:$0x3FFC];
	_ =	sdelay $0x3  }
0x94: {  	_ =	strace s3  }
0x95: {  	s3 =	sld [smem:$0x3FFD];
	_ =	sdelay $0x3  }
0x96: {  	_ =	strace s3  }
0x97: {  	_ =	strace $0x8FFFFFFF  }
0x98: {  	s19 =	sld [smem:$0x3FDB];
	_ =	sdelay $0x1  }
0x99: {  	s4 =	simm.s32 $_scs_section_size  }
0x9a: {  	s5 =	simm.s32 $_size__tile_overlayer_lowered;
	s6 =	simm.s32 $_tile_overlayer_lowered  }
0x9b: {  	s22 =	simm.s32 $0x1BFF;
	s21 =	sshll.u32 s6, $0x1;
	s3 =	sadd.s32 s4, s19  }
0x9c: {  	s7 =	simm.s32 $0x0;
	s20 =	sshll.u32 s5, $0x1;
	s5 =	sadd.s32 s21, s3  }
0x9d: {  	[timem:s7], [sflag:s22] =	dma.local [hbm:s5], s20  }
0x9e: {  	_ =	swait.ge [sflag:s22], s20  }
0x9f: {  	s4 =	ssub.s32 $0x0, s20;
	[sflag:s22] =	ssyncset.done $0x0  }
0xa0: {  	[sflag:s22] =	ssyncadd.s32 s4;
	_ =	sdelay $0x1  }
0xa1: {  	s23 =	simm.s32 $0x1B8B  }
0xa2: {  	_ =	swait.ge [sflag:s23], $0x1  }
0xa3: {  	[sflag:s23] =	ssyncset.done $0x0  }
0xa4: {  	s25 =	simm.s32 $0x1B8E;
	s24 =	sld [smem:$0x3FFE];
	[sflag:s23] =	ssyncadd.s32 $0xFFFFFFFF  }
0xa5: {  	s26 =	simm.s32 $execute0_lowered;
	[smem:$0x3FD2] =	sst s25  }
0xa6: {  	s5 =	sshll.u32 s26, $0x1;
	_ =	strace $0x80000046;
	[dreg:$0x1] =	wrdreg $0xFFFFFFFF  }
0xa7: {  	s28 =	simm.s32 $_size_execute0_lowered;
	s3 =	sadd.s32 s3, s5;
	[dreg:$0x0] =	wrdreg $0x0  }
0xa8: {  	s5 =	sshll.u32 s28, $0x1;
	[dreg:$0x2] =	wrdreg s3  }
0xa9: {  	[dreg:$0x3] =	wrdreg s5  }
0xaa: {  	[dreg:$0x4] =	wrdreg $0xC0  }
0xab: {  	_ =	task [dreg:s7], $0x5FFFF  }
0xac: {  	[dreg:$0x1] =	wrdreg $0xFFFFFFFF  }
0xad: {  	[dreg:$0x0] =	wrdreg $0x60  }
0xae: {  	[dreg:$0x2] =	wrdreg s24  }
0xaf: {  	[dreg:$0x3] =	wrdreg s2  }
0xb0: {  	[dreg:$0x4] =	wrdreg $0x27600  }
0xb1: {  	[dreg:$0x5] =	wrdreg $0x9  }
0xb2: {  	_ =	task.clear_ibuf [dreg:s7], $0x6FFFF;
	_ =	strace $0x90000046  }
0xb3: {  	s29 =	simm.s32 $0x9;
	_ =	strace $0x80000048  }
0xb4: {  	_ =	swait.ge [sflag:s29], $0x1  }
0xb5: {  	[sflag:s29] =	ssyncadd.s32 $0xFFFFFFFF  }
0xb6: {  	_ =	strace $0x90000048  }
0xb7: {  	_ =	sfence  }
0xb8: {  	s30 =	sld [smem:$0x0];
	_ =	sdelay $0x2  }
0xb9: {  	s31 =	sshll.u32 s1, $0xD;
	s1 =	sshrl.u32 s1, $0x2  }
0xba: {  	s3 =	sand.u32 $0x4000, s31;
	s1 =	sadd.s32 s1, s30  }
0xbb: {  	s0 =	sor.u32 s3, s0;
	s1 =	sshll.u32 s1, $0x11  }
0xbc: {  	s0 =	sor.u32 s1, s0  }
0xbd: {  	s0 =	sadd.s32 $0x8F2B, s0  }
0xbe: {  	[sflag:s0] =	ssyncadd.remote.s32 $0x1  }
0xbf: {  	_ =	sfence.sel $0xFFFF  }
0xc0: {  	[dreg:$0x0] =	wrdreg $0xFFFFFFFF;
	(pc) =	sbr.abs _section_cstart, $3  }
0xc1: {  	[dreg:$0x1] =	wrdreg $0xFFFFFFFF  }
0xc2: {  	_ =	task.clear_ibuf [dreg:s7], $0x2FFFF;
	_ =	strace $0x9FFFFFFF  }
0xc3: {  	(tm) =	ssettm $0x7FFFFFFF  }
tec
execute0_lowered:
.L_overlay_start_1:
0x0: {  	(tag) =	ssettag $0x1  }
0x1: {  	s6 =	rddreg [dreg:$0x0]  }
0x2: {  	s1 =	rddreg [dreg:$0x1]  }
0x3: {  	s2 =	rddreg [dreg:$0x2]  }
0x4: {  	s0 =	rddreg [dreg:$0x3];
	s4 =	srdreg.scid  }
0x5: {  	s10 =	stileid.u32;
	s3 =	simm.s32 $0x0;
	s15 =	simm.s32 $0x0  }
0x6: {  	s7 =	sand.u32 $0x1, s4;
	s30 =	sshll.u32 s10, $0x1;
	[smem:$0x7FF] =	sst s3  }
0x7: {  	s5 =	sadd.s32 $0x16600, s6;
	p0 =	seq.s32 s10, $0x0;
	s4 =	sor.u32 s7, s30  }
0x8: {  	_ =	strace $0x80000047;
	s8 =	ssub.s32 $0x2, s7;
	p1 =	seq.s32 s7, $0x1  }
0x9: {  	s31 =	sor.u32 s7, s10;
	s9 =	smul.u32 $0x2710, s4;
	s4 =	sadd.s32 $0x16000, s6  }
0xa: {  	s11 =	sshrl.u32 s8, $0x1;
	p0 =	por !p0, !p1;
	p2 =	sne.s32 s31, $0x0  }
0xb: {  	s8 =	ssub.s32 s8, s11;
	p1 =	por !p0, !p0;
	p0 =	sne.s32 s10, $0x0  }
0xc: {  	s12 =	sshll.u32 @!p2 s10, $0x6;
	s10 =	simm.s32 $0x50;
	s11 =	simm.s32 $0x2710  }
0xd: {  	s13 =	sshrl.u32 @!p2 s2, $0x3;
	s9 =	sshrl.u32 s9, $0x3;
	s7 =	smax.u32 s8, $0x1  }
0xe: {  	s8 =	sshrl.u32 @!p0 s2, $0x3;
	s12 =	sor.u32 @!p2 $0x1C01, s12;
	s6 =	sadd.s32 s6, s9  }
0xf: {  	v0 =	vimm.f32 $1.000000000e+00;
	s14 =	sshrl.u32 @p1 s2, $0x3;
	s9 =	simm.s32 $0x1;
	s6 =	sadd.s32 $0xC240, s6  }
.LBB2_1:
0x10: {  	s16 =	simm.s32 @!p0 $0x1C01  }
0x11: {  	[spmem:s8], [sflag:s16] =	dma.local @!p0 [hbm:s1], $0x4E2  }
0x12: {  	s16 =	simm.s32 @!p0 $0x1  }
0x13: {  	_ =	swait.ge @!p0 [sflag:s16], $0x4E2  }
0x14: {  	[sflag:s16] =	ssyncset.done @!p0 $0x0  }
0x15: {  	[sflag:s16] =	ssyncadd.s32 @!p0 $0xFFFFFB1E  }
0x16: {  	[tilespmem:$0x2710] =	vst v0  }
0x17: {  	[tilespmem:$0x2720] =	vst v0  }
0x18: {  	[tilespmem:$0x2730] =	vst v0  }
0x19: {  	[tilespmem:$0x2740] =	vst v0  }
0x1a: {  	[tilespmem:$0x2750] =	vst v0  }
0x1b: {  	[tilespmem:s3], [sflag:$0x1] =	stream.linear.gather [hbm4b:s6+s3], $0x2710, $0x38;
	[tilespmem:$0x29D8] =	vst v63  }
0x1c: {  	_ =	swait.ge [sflag:s9], $0x2710  }
0x1d: {  	[sflag:s9] =	ssyncset.done $0x0  }
0x1e: {  	[sflag:s9] =	ssyncadd.s32 $0xFFFFD8F0  }
0x1f: {  	s31 =	simm.s32 $0x0;
	[bflag:$0x0] =	sbarrier.arrive $0xFFFF  }
0x20: {  	[spmem:s2] =	stream.indirect.scatter.add.f32 [tilespmem:s11], [sflag:$0x1], $0x1, s31, s10, $0xb8;
	[tilespmem:$0x29D8] =	vst v63  }
0x21: {  	_ =	swait.ge [sflag:s9], $0x50  }
0x22: {  	s16 =	simm.s32 $0x140;
	[sflag:s9] =	ssyncset.done $0x0  }
.LBB2_2:
0x23: {  	s17 =	sshra.s32 s16, $0x2;
	[sflag:s9] =	ssyncadd.s32 $0xFFFFFFB0;
	p3 =	sne.s32 s16, $0x9B00  }
0x24: {  	[spmem:s2] =	stream.indirect.scatter.add.f32 [tilespmem:s11], [sflag:$0x1], $0x1, s17, s10, $0xb8;
	[tilespmem:$0x29D8] =	vst v63  }
.Ltmp0:
0x25: {  	_ = 	snop;
	(pc) =	sbr.rel @p3 .LBB2_2-.Ltmp0, $4  }
0x26: {  	_ = 	snop  }
0x27: {  	s16 =	sadd.s32 $0x140, s16  }
0x28: {  	_ =	swait.ge [sflag:s9], $0x50  }
0x29: {  	[sflag:s9] =	ssyncset.done $0x0  }
0x2a: {  	[sflag:s9] =	ssyncadd.s32 $0xFFFFFFB0  }
0x2b: {  	s16 =	simm.s32 @!p2 $0x1;
	[bflag:$0x0] =	sbarrier.arrive $0xFFFF  }
0x2c: {  	[hbm:s4], [sflag:s12] =	dma.local @!p2 [spmem:s13], $0x4E2  }
0x2d: {  	_ =	swait.ge @!p2 [sflag:s16], $0x4E2  }
0x2e: {  	s15 =	sadd.s32 $0x1, s15;
	[sflag:s16] =	ssyncset.done @!p2 $0x0  }
0x2f: {  	p3 =	sne.s32 s15, s7;
	[sflag:s16] =	ssyncadd.s32 @!p2 $0xFFFFFB1E;
	s16 =	simm.s32 @p1 $0x1C01  }
0x30: {  	[hbm:s5], [sflag:s16] =	dma.local @p1 [spmem:s14], $0x4E2  }
.Ltmp1:
0x31: {  	_ = 	snop;
	(pc) =	sbr.rel @p3 .LBB2_1-.Ltmp1, $4  }
0x32: {  	s16 =	simm.s32 @p1 $0x1  }
0x33: {  	_ =	swait.ge @p1 [sflag:s16], $0x4E2  }
0x34: {  	[sflag:s16] =	ssyncset.done @p1 $0x0  }
0x35: {  	[sflag:s16] =	ssyncadd.s32 @p1 $0xFFFFFB1E  }
0x36: {  	_ =	sfence.sel $0x180000  }
0x37: {  	[bflag:$0x0] =	sbarrier.arrive $0xFFFF  }
0x38: {  	_ =	strace $0x90000047  }
0x39: {  	s0 =	sadd.s32 @!p0 $0x100000, s0;
	[bflag:$0x2] =	sbarrier.arrive $0xFFFF  }
0x3a: {  	[sflag:s0] =	ssyncadd.tile.s32 @!p0 $0x1;
	_ =	shalt  }
.Lfunc_end2:
_tile_overlayer_lowered:
.L_overlay_start_2:
0x3b: {  	(tag) =	ssettag $0x2  }
0x3c: {  	s0 =	rddreg [dreg:$0x0];
	s2 =	stileid.u32  }
0x3d: {  	s1 =	rddreg [dreg:$0x1];
	p0 =	sne.s32 s2, $0x0  }
0x3e: {  	s3 =	rddreg [dreg:$0x2];
	[bflag:$0x3] =	sbarrier.arrive $0xFFFF;
	s2 =	simm.s32 @!p0 $0x1C01  }
0x3f: {  	[timem:s3], [sflag:s2] =	dma.local @!p0 [hbm:s0], s1  }
0x40: {  	s0 =	simm.s32 @!p0 $0x1  }
0x41: {  	_ =	swait.ge @!p0 [sflag:s0], s1  }
0x42: {  	s1 =	ssub.s32 @!p0 $0x0, s1;
	[sflag:s0] =	ssyncset.done @!p0 $0x0  }
0x43: {  	[sflag:s0] =	ssyncadd.s32 @!p0 s1  }
0x44: {  	[bflag:$0x3] =	sbarrier.arrive $0xFFFF  }
0x45: {  	_ =	shalt  }

</sc_bundles>
